<compile_context>
chip_gen: v7x
topology: tpu7x:2x2x1
jax: 0.10.2.dev20260603
libtpu: 0.0.44.dev20260713+nightly
codegen_flags: <defaults>
</compile_context>

<pallas_src>
import functools

import jax
import jax.numpy as jnp
from jax import lax
from jax.experimental import pallas as pl
from jax.experimental.pallas import tpu as pltpu
from jax.experimental.pallas import tpu_sc as plsc

ROWS = 64
D = 64
BASE = 7
STRIDE = 15625
L = 16
NWORK = 8
KPW = ROWS // NWORK


def kernel(a):
    info = plsc.get_sparse_core_info()
    nc = info.num_cores

    mesh = plsc.VectorSubcoreMesh(
        core_axis_name="c", subcore_axis_name="s", num_cores=1
    )

    @functools.partial(
        pl.kernel,
        mesh=mesh,
        out_type=jax.ShapeDtypeStruct((ROWS, D), jnp.float32),
        scratch_types=[
            pltpu.VMEM((KPW, D, 128), jnp.float32),
            pltpu.VMEM((KPW, D), jnp.float32),
            pltpu.SemaphoreType.DMA,
        ],
        compiler_params=pltpu.CompilerParams(needs_layout_passes=False),
    )
    def sc_gather(att_hbm, out_hbm, blocks_v, rows_v, sem):
        wid = lax.axis_index("s")

        @pl.when(wid < NWORK)
        def _():
            base0 = BASE + wid * (KPW * STRIDE)
            copies = []
            for i in range(KPW):
                idx = base0 + i * STRIDE
                q0 = pl.multiple_of((idx // 128) * 128, 128)
                copies.append(
                    pltpu.async_copy(
                        att_hbm.at[:, pl.ds(q0, 128)], blocks_v.at[i], sem
                    )
                )
            for cp in copies:
                cp.wait()
            for i in range(KPW):
                idx = base0 + i * STRIDE
                col = jnp.full((L,), lax.rem(idx, 128), dtype=jnp.int32)
                for g in range(D // L):
                    row = lax.iota(jnp.int32, L) + g * L
                    vals = plsc.load_gather(blocks_v.at[i], [row, col])
                    rows_v[i, pl.ds(g * L, L)] = vals * 2.0
            pltpu.sync_copy(rows_v, out_hbm.at[pl.ds(wid * KPW, KPW)])

    return sc_gather(a.T)

# --- scband reference (transcript-rebuilt; emitter-appended) ---
"""Pipeline reference for scband-select-module-68874095559443 (READ-ONLY COPY).

The authoritative reference and input builder live on the scoring server;
editing this copy changes nothing except your own understanding.
"""

import jax, jax.numpy as jnp
import numpy as np

# Constant row indices baked into the module (from init_kwargs indices[0])
IDX = jnp.array([7, 15632, 31257, 46882, 62507, 78132, 93757, 109382, 125007, 140632, 156257, 171882, 187507, 203132, 218757, 234382, 250007, 265632, 281257, 296882, 312507, 328132, 343757, 359382, 375007, 390632, 406257, 421882, 437507, 453132, 468757, 484382, 500007, 515632, 531257, 546882, 562507, 578132, 593757, 609382, 625007, 640632, 656257, 671882, 687507, 703132, 718757, 734382, 750007, 765632, 781257, 796882, 812507, 828132, 843757, 859382, 875007, 890632, 906257, 921882, 937507, 953132, 968757, 984382], dtype=jnp.int32)


def setup_inputs(seed: int = 0) -> dict:
    key = jax.random.key(seed)
    a = jax.random.normal(key, (1000000, 64), dtype=jnp.float32)
    return {"a": a}


def reference(a):
    # SelectModule with rank=2, axis=0: (a + a)[indices[0], :]
    return (a + a)[IDX, :]

if __name__ == "__main__":
    import jax
    _d = setup_inputs()
    print(jax.jit(kernel)(*tuple(_d.values())))

</pallas_src>

<mosaic_0001>
#map = affine_map<(d0, d1) -> (0, 0)>
module attributes {stable_mosaic.version = 14 : i64} {
  func.func @sc_gather(%arg0: i32, %arg1: i32, %arg2: memref<64x1000000xf32, #tpu.memory_space<hbm>>, %arg3: memref<64x64xf32, #tpu.memory_space<hbm>>, %arg4: memref<8x64x128xf32, #tpu.memory_space<vmem>>, %arg5: memref<8x64xf32, #tpu.memory_space<vmem>>, %arg6: memref<!tpu.dma_semaphore, #tpu.memory_space<semaphore_mem>>) attributes {dimension_semantics = [#tpu.dimension_semantics<core_parallel>, #tpu.dimension_semantics<subcore_parallel>], iteration_bounds = array<i64: 1, 16>, scalar_prefetch = 0 : i64, scratch_operands = 3 : i64, tpu.core_type = #tpu.core_type<sc_vector_subcore>, window_params = [{transform_indices = #map}, {transform_indices = #map}]} {
    %lt3A = arith.constant 8 : i32
    %lt3A_0 = arith.cmpi slt, %arg1, %lt3A : i32
    %convert_element_type3A = arith.extui %lt3A_0 : i1 to i32
    %cond3A = arith.constant 0 : i32
    %cond3A_1 = arith.cmpi ne, %convert_element_type3A, %cond3A : i32
    scf.if %cond3A_1 {
      %mul3A = arith.constant 125000 : i32
      %mul3A_2 = arith.muli %arg1, %mul3A : i32
      %add3A = arith.constant 7 : i32
      %add3A_3 = arith.addi %add3A, %mul3A_2 : i32
      %add3A_4 = arith.constant 0 : i32
      %add3A_5 = arith.addi %add3A_3, %add3A_4 : i32
      %jit3A = arith.constant 128 : i32
      %div3A = arith.divsi %add3A_5, %jit3A : i32
      %sign3A = arith.constant 0 : i32
      %sign3A_6 = arith.cmpi sgt, %add3A_5, %sign3A : i32
      %sign3A_7 = arith.extui %sign3A_6 : i1 to i32
      %sign3A_8 = arith.constant 0 : i32
      %sign3A_9 = arith.cmpi slt, %add3A_5, %sign3A_8 : i32
      %sign3A_10 = arith.extui %sign3A_9 : i1 to i32
      %sign3A_11 = arith.subi %sign3A_7, %sign3A_10 : i32
      %sign3A_12 = arith.constant 0 : i32
      %sign3A_13 = arith.cmpi sgt, %jit3A, %sign3A_12 : i32
      %sign3A_14 = arith.extui %sign3A_13 : i1 to i32
      %sign3A_15 = arith.constant 0 : i32
      %sign3A_16 = arith.cmpi slt, %jit3A, %sign3A_15 : i32
      %sign3A_17 = arith.extui %sign3A_16 : i1 to i32
      %sign3A_18 = arith.subi %sign3A_14, %sign3A_17 : i32
      %ne3A = arith.cmpi ne, %sign3A_11, %sign3A_18 : i32
      %rem3A = arith.remsi %add3A_5, %jit3A : i32
      %ne3A_19 = arith.constant 0 : i32
      %ne3A_20 = arith.cmpi ne, %rem3A, %ne3A_19 : i32
      %and3A = arith.andi %ne3A, %ne3A_20 : i1
      %sub3A = arith.constant 1 : i32
      %sub3A_21 = arith.subi %div3A, %sub3A : i32
      %select_n3A = arith.select %and3A, %sub3A_21, %div3A : i32
      %mul3A_22 = arith.constant 128 : i32
      %mul3A_23 = arith.muli %select_n3A, %mul3A_22 : i32
      %multiple_of3A = tpu.assume_multiple %mul3A_23, 128 : i32
      %dma_start3A = arith.constant 0 : i32
      %dma_start3A_24 = arith.constant 0 : i32
      %dma_start3A_25 = arith.constant 0 : i32
      %dma_start3A_26 = tpu.memref_slice %arg4[%dma_start3A, %dma_start3A_24, %dma_start3A_25] : memref<8x64x128xf32, #tpu.memory_space<vmem>> -> memref<1x64x128xf32, #tpu.memory_space<vmem>>
      %dma_start3A_27 = tpu.memref_squeeze %dma_start3A_26 : memref<1x64x128xf32, #tpu.memory_space<vmem>> -> memref<64x128xf32, #tpu.memory_space<vmem>>
      %dma_start3A_28 = arith.constant 0 : i32
      %dma_start3A_29 = tpu.memref_slice %arg2[%dma_start3A_28, %multiple_of3A] : memref<64x1000000xf32, #tpu.memory_space<hbm>> -> memref<64x128xf32, #tpu.memory_space<hbm>>
      %dma_start3A_30 = arith.constant 0 : i32
      %dma_start3A_31 = arith.constant 0 : i32
      %dma_start3A_32 = tpu.memref_slice %arg4[%dma_start3A, %dma_start3A_30, %dma_start3A_31] : memref<8x64x128xf32, #tpu.memory_space<vmem>> -> memref<1x64x128xf32, #tpu.memory_space<vmem>>
      %dma_start3A_33 = tpu.memref_squeeze %dma_start3A_32 : memref<1x64x128xf32, #tpu.memory_space<vmem>> -> memref<64x128xf32, #tpu.memory_space<vmem>>
      %dma_start3A_34 = arith.constant 0 : i32
      %dma_start3A_35 = tpu.memref_slice %arg2[%dma_start3A_34, %multiple_of3A] : memref<64x1000000xf32, #tpu.memory_space<hbm>> -> memref<64x128xf32, #tpu.memory_space<hbm>>
      tpu.enqueue_dma source(%dma_start3A_35 : memref<64x128xf32, #tpu.memory_space<hbm>>) target(%dma_start3A_33 : memref<64x128xf32, #tpu.memory_space<vmem>>) target_semaphore(%arg6 : memref<!tpu.dma_semaphore, #tpu.memory_space<semaphore_mem>>)
      %add3A_36 = arith.constant 15625 : i32
      %add3A_37 = arith.addi %add3A_3, %add3A_36 : i32
      %jit3A_38 = arith.constant 128 : i32
      %div3A_39 = arith.divsi %add3A_37, %jit3A_38 : i32
      %sign3A_40 = arith.constant 0 : i32
      %sign3A_41 = arith.cmpi sgt, %add3A_37, %sign3A_40 : i32
      %sign3A_42 = arith.extui %sign3A_41 : i1 to i32
      %sign3A_43 = arith.constant 0 : i32
      %sign3A_44 = arith.cmpi slt, %add3A_37, %sign3A_43 : i32
      %sign3A_45 = arith.extui %sign3A_44 : i1 to i32
      %sign3A_46 = arith.subi %sign3A_42, %sign3A_45 : i32
      %sign3A_47 = arith.constant 0 : i32
      %sign3A_48 = arith.cmpi sgt, %jit3A_38, %sign3A_47 : i32
      %sign3A_49 = arith.extui %sign3A_48 : i1 to i32
      %sign3A_50 = arith.constant 0 : i32
      %sign3A_51 = arith.cmpi slt, %jit3A_38, %sign3A_50 : i32
      %sign3A_52 = arith.extui %sign3A_51 : i1 to i32
      %sign3A_53 = arith.subi %sign3A_49, %sign3A_52 : i32
      %ne3A_54 = arith.cmpi ne, %sign3A_46, %sign3A_53 : i32
      %rem3A_55 = arith.remsi %add3A_37, %jit3A_38 : i32
      %ne3A_56 = arith.constant 0 : i32
      %ne3A_57 = arith.cmpi ne, %rem3A_55, %ne3A_56 : i32
      %and3A_58 = arith.andi %ne3A_54, %ne3A_57 : i1
      %sub3A_59 = arith.constant 1 : i32
      %sub3A_60 = arith.subi %div3A_39, %sub3A_59 : i32
      %select_n3A_61 = arith.select %and3A_58, %sub3A_60, %div3A_39 : i32
      %mul3A_62 = arith.constant 128 : i32
      %mul3A_63 = arith.muli %select_n3A_61, %mul3A_62 : i32
      %multiple_of3A_64 = tpu.assume_multiple %mul3A_63, 128 : i32
      %dma_start3A_65 = arith.constant 1 : i32
      %dma_start3A_66 = arith.constant 0 : i32
      %dma_start3A_67 = arith.constant 0 : i32
      %dma_start3A_68 = tpu.memref_slice %arg4[%dma_start3A_65, %dma_start3A_66, %dma_start3A_67] : memref<8x64x128xf32, #tpu.memory_space<vmem>> -> memref<1x64x128xf32, #tpu.memory_space<vmem>>
      %dma_start3A_69 = tpu.memref_squeeze %dma_start3A_68 : memref<1x64x128xf32, #tpu.memory_space<vmem>> -> memref<64x128xf32, #tpu.memory_space<vmem>>
      %dma_start3A_70 = arith.constant 0 : i32
      %dma_start3A_71 = tpu.memref_slice %arg2[%dma_start3A_70, %multiple_of3A_64] : memref<64x1000000xf32, #tpu.memory_space<hbm>> -> memref<64x128xf32, #tpu.memory_space<hbm>>
      %dma_start3A_72 = arith.constant 0 : i32
      %dma_start3A_73 = arith.constant 0 : i32
      %dma_start3A_74 = tpu.memref_slice %arg4[%dma_start3A_65, %dma_start3A_72, %dma_start3A_73] : memref<8x64x128xf32, #tpu.memory_space<vmem>> -> memref<1x64x128xf32, #tpu.memory_space<vmem>>
      %dma_start3A_75 = tpu.memref_squeeze %dma_start3A_74 : memref<1x64x128xf32, #tpu.memory_space<vmem>> -> memref<64x128xf32, #tpu.memory_space<vmem>>
      %dma_start3A_76 = arith.constant 0 : i32
      %dma_start3A_77 = tpu.memref_slice %arg2[%dma_start3A_76, %multiple_of3A_64] : memref<64x1000000xf32, #tpu.memory_space<hbm>> -> memref<64x128xf32, #tpu.memory_space<hbm>>
      tpu.enqueue_dma source(%dma_start3A_77 : memref<64x128xf32, #tpu.memory_space<hbm>>) target(%dma_start3A_75 : memref<64x128xf32, #tpu.memory_space<vmem>>) target_semaphore(%arg6 : memref<!tpu.dma_semaphore, #tpu.memory_space<semaphore_mem>>)
      %add3A_78 = arith.constant 31250 : i32
      %add3A_79 = arith.addi %add3A_3, %add3A_78 : i32
      %jit3A_80 = arith.constant 128 : i32
      %div3A_81 = arith.divsi %add3A_79, %jit3A_80 : i32
      %sign3A_82 = arith.constant 0 : i32
      %sign3A_83 = arith.cmpi sgt, %add3A_79, %sign3A_82 : i32
      %sign3A_84 = arith.extui %sign3A_83 : i1 to i32
      %sign3A_85 = arith.constant 0 : i32
      %sign3A_86 = arith.cmpi slt, %add3A_79, %sign3A_85 : i32
      %sign3A_87 = arith.extui %sign3A_86 : i1 to i32
      %sign3A_88 = arith.subi %sign3A_84, %sign3A_87 : i32
      %sign3A_89 = arith.constant 0 : i32
      %sign3A_90 = arith.cmpi sgt, %jit3A_80, %sign3A_89 : i32
      %sign3A_91 = arith.extui %sign3A_90 : i1 to i32
      %sign3A_92 = arith.constant 0 : i32
      %sign3A_93 = arith.cmpi slt, %jit3A_80, %sign3A_92 : i32
      %sign3A_94 = arith.extui %sign3A_93 : i1 to i32
      %sign3A_95 = arith.subi %sign3A_91, %sign3A_94 : i32
      %ne3A_96 = arith.cmpi ne, %sign3A_88, %sign3A_95 : i32
      %rem3A_97 = arith.remsi %add3A_79, %jit3A_80 : i32
      %ne3A_98 = arith.constant 0 : i32
      %ne3A_99 = arith.cmpi ne, %rem3A_97, %ne3A_98 : i32
      %and3A_100 = arith.andi %ne3A_96, %ne3A_99 : i1
      %sub3A_101 = arith.constant 1 : i32
      %sub3A_102 = arith.subi %div3A_81, %sub3A_101 : i32
      %select_n3A_103 = arith.select %and3A_100, %sub3A_102, %div3A_81 : i32
      %mul3A_104 = arith.constant 128 : i32
      %mul3A_105 = arith.muli %select_n3A_103, %mul3A_104 : i32
      %multiple_of3A_106 = tpu.assume_multiple %mul3A_105, 128 : i32
      %dma_start3A_107 = arith.constant 2 : i32
      %dma_start3A_108 = arith.constant 0 : i32
      %dma_start3A_109 = arith.constant 0 : i32
      %dma_start3A_110 = tpu.memref_slice %arg4[%dma_start3A_107, %dma_start3A_108, %dma_start3A_109] : memref<8x64x128xf32, #tpu.memory_space<vmem>> -> memref<1x64x128xf32, #tpu.memory_space<vmem>>
      %dma_start3A_111 = tpu.memref_squeeze %dma_start3A_110 : memref<1x64x128xf32, #tpu.memory_space<vmem>> -> memref<64x128xf32, #tpu.memory_space<vmem>>
      %dma_start3A_112 = arith.constant 0 : i32
      %dma_start3A_113 = tpu.memref_slice %arg2[%dma_start3A_112, %multiple_of3A_106] : memref<64x1000000xf32, #tpu.memory_space<hbm>> -> memref<64x128xf32, #tpu.memory_space<hbm>>
      %dma_start3A_114 = arith.constant 0 : i32
      %dma_start3A_115 = arith.constant 0 : i32
      %dma_start3A_116 = tpu.memref_slice %arg4[%dma_start3A_107, %dma_start3A_114, %dma_start3A_115] : memref<8x64x128xf32, #tpu.memory_space<vmem>> -> memref<1x64x128xf32, #tpu.memory_space<vmem>>
      %dma_start3A_117 = tpu.memref_squeeze %dma_start3A_116 : memref<1x64x128xf32, #tpu.memory_space<vmem>> -> memref<64x128xf32, #tpu.memory_space<vmem>>
      %dma_start3A_118 = arith.constant 0 : i32
      %dma_start3A_119 = tpu.memref_slice %arg2[%dma_start3A_118, %multiple_of3A_106] : memref<64x1000000xf32, #tpu.memory_space<hbm>> -> memref<64x128xf32, #tpu.memory_space<hbm>>
      tpu.enqueue_dma source(%dma_start3A_119 : memref<64x128xf32, #tpu.memory_space<hbm>>) target(%dma_start3A_117 : memref<64x128xf32, #tpu.memory_space<vmem>>) target_semaphore(%arg6 : memref<!tpu.dma_semaphore, #tpu.memory_space<semaphore_mem>>)
      %add3A_120 = arith.constant 46875 : i32
      %add3A_121 = arith.addi %add3A_3, %add3A_120 : i32
      %jit3A_122 = arith.constant 128 : i32
      %div3A_123 = arith.divsi %add3A_121, %jit3A_122 : i32
      %sign3A_124 = arith.constant 0 : i32
      %sign3A_125 = arith.cmpi sgt, %add3A_121, %sign3A_124 : i32
      %sign3A_126 = arith.extui %sign3A_125 : i1 to i32
      %sign3A_127 = arith.constant 0 : i32
      %sign3A_128 = arith.cmpi slt, %add3A_121, %sign3A_127 : i32
      %sign3A_129 = arith.extui %sign3A_128 : i1 to i32
      %sign3A_130 = arith.subi %sign3A_126, %sign3A_129 : i32
      %sign3A_131 = arith.constant 0 : i32
      %sign3A_132 = arith.cmpi sgt, %jit3A_122, %sign3A_131 : i32
      %sign3A_133 = arith.extui %sign3A_132 : i1 to i32
      %sign3A_134 = arith.constant 0 : i32
      %sign3A_135 = arith.cmpi slt, %jit3A_122, %sign3A_134 : i32
      %sign3A_136 = arith.extui %sign3A_135 : i1 to i32
      %sign3A_137 = arith.subi %sign3A_133, %sign3A_136 : i32
      %ne3A_138 = arith.cmpi ne, %sign3A_130, %sign3A_137 : i32
      %rem3A_139 = arith.remsi %add3A_121, %jit3A_122 : i32
      %ne3A_140 = arith.constant 0 : i32
      %ne3A_141 = arith.cmpi ne, %rem3A_139, %ne3A_140 : i32
      %and3A_142 = arith.andi %ne3A_138, %ne3A_141 : i1
      %sub3A_143 = arith.constant 1 : i32
      %sub3A_144 = arith.subi %div3A_123, %sub3A_143 : i32
      %select_n3A_145 = arith.select %and3A_142, %sub3A_144, %div3A_123 : i32
      %mul3A_146 = arith.constant 128 : i32
      %mul3A_147 = arith.muli %select_n3A_145, %mul3A_146 : i32
      %multiple_of3A_148 = tpu.assume_multiple %mul3A_147, 128 : i32
      %dma_start3A_149 = arith.constant 3 : i32
      %dma_start3A_150 = arith.constant 0 : i32
      %dma_start3A_151 = arith.constant 0 : i32
      %dma_start3A_152 = tpu.memref_slice %arg4[%dma_start3A_149, %dma_start3A_150, %dma_start3A_151] : memref<8x64x128xf32, #tpu.memory_space<vmem>> -> memref<1x64x128xf32, #tpu.memory_space<vmem>>
      %dma_start3A_153 = tpu.memref_squeeze %dma_start3A_152 : memref<1x64x128xf32, #tpu.memory_space<vmem>> -> memref<64x128xf32, #tpu.memory_space<vmem>>
      %dma_start3A_154 = arith.constant 0 : i32
      %dma_start3A_155 = tpu.memref_slice %arg2[%dma_start3A_154, %multiple_of3A_148] : memref<64x1000000xf32, #tpu.memory_space<hbm>> -> memref<64x128xf32, #tpu.memory_space<hbm>>
      %dma_start3A_156 = arith.constant 0 : i32
      %dma_start3A_157 = arith.constant 0 : i32
      %dma_start3A_158 = tpu.memref_slice %arg4[%dma_start3A_149, %dma_start3A_156, %dma_start3A_157] : memref<8x64x128xf32, #tpu.memory_space<vmem>> -> memref<1x64x128xf32, #tpu.memory_space<vmem>>
      %dma_start3A_159 = tpu.memref_squeeze %dma_start3A_158 : memref<1x64x128xf32, #tpu.memory_space<vmem>> -> memref<64x128xf32, #tpu.memory_space<vmem>>
      %dma_start3A_160 = arith.constant 0 : i32
      %dma_start3A_161 = tpu.memref_slice %arg2[%dma_start3A_160, %multiple_of3A_148] : memref<64x1000000xf32, #tpu.memory_space<hbm>> -> memref<64x128xf32, #tpu.memory_space<hbm>>
      tpu.enqueue_dma source(%dma_start3A_161 : memref<64x128xf32, #tpu.memory_space<hbm>>) target(%dma_start3A_159 : memref<64x128xf32, #tpu.memory_space<vmem>>) target_semaphore(%arg6 : memref<!tpu.dma_semaphore, #tpu.memory_space<semaphore_mem>>)
      %add3A_162 = arith.constant 62500 : i32
      %add3A_163 = arith.addi %add3A_3, %add3A_162 : i32
      %jit3A_164 = arith.constant 128 : i32
      %div3A_165 = arith.divsi %add3A_163, %jit3A_164 : i32
      %sign3A_166 = arith.constant 0 : i32
      %sign3A_167 = arith.cmpi sgt, %add3A_163, %sign3A_166 : i32
      %sign3A_168 = arith.extui %sign3A_167 : i1 to i32
      %sign3A_169 = arith.constant 0 : i32
      %sign3A_170 = arith.cmpi slt, %add3A_163, %sign3A_169 : i32
      %sign3A_171 = arith.extui %sign3A_170 : i1 to i32
      %sign3A_172 = arith.subi %sign3A_168, %sign3A_171 : i32
      %sign3A_173 = arith.constant 0 : i32
      %sign3A_174 = arith.cmpi sgt, %jit3A_164, %sign3A_173 : i32
      %sign3A_175 = arith.extui %sign3A_174 : i1 to i32
      %sign3A_176 = arith.constant 0 : i32
      %sign3A_177 = arith.cmpi slt, %jit3A_164, %sign3A_176 : i32
      %sign3A_178 = arith.extui %sign3A_177 : i1 to i32
      %sign3A_179 = arith.subi %sign3A_175, %sign3A_178 : i32
      %ne3A_180 = arith.cmpi ne, %sign3A_172, %sign3A_179 : i32
      %rem3A_181 = arith.remsi %add3A_163, %jit3A_164 : i32
      %ne3A_182 = arith.constant 0 : i32
      %ne3A_183 = arith.cmpi ne, %rem3A_181, %ne3A_182 : i32
      %and3A_184 = arith.andi %ne3A_180, %ne3A_183 : i1
      %sub3A_185 = arith.constant 1 : i32
      %sub3A_186 = arith.subi %div3A_165, %sub3A_185 : i32
      %select_n3A_187 = arith.select %and3A_184, %sub3A_186, %div3A_165 : i32
      %mul3A_188 = arith.constant 128 : i32
      %mul3A_189 = arith.muli %select_n3A_187, %mul3A_188 : i32
      %multiple_of3A_190 = tpu.assume_multiple %mul3A_189, 128 : i32
      %dma_start3A_191 = arith.constant 4 : i32
      %dma_start3A_192 = arith.constant 0 : i32
      %dma_start3A_193 = arith.constant 0 : i32
      %dma_start3A_194 = tpu.memref_slice %arg4[%dma_start3A_191, %dma_start3A_192, %dma_start3A_193] : memref<8x64x128xf32, #tpu.memory_space<vmem>> -> memref<1x64x128xf32, #tpu.memory_space<vmem>>
      %dma_start3A_195 = tpu.memref_squeeze %dma_start3A_194 : memref<1x64x128xf32, #tpu.memory_space<vmem>> -> memref<64x128xf32, #tpu.memory_space<vmem>>
      %dma_start3A_196 = arith.constant 0 : i32
      %dma_start3A_197 = tpu.memref_slice %arg2[%dma_start3A_196, %multiple_of3A_190] : memref<64x1000000xf32, #tpu.memory_space<hbm>> -> memref<64x128xf32, #tpu.memory_space<hbm>>
      %dma_start3A_198 = arith.constant 0 : i32
      %dma_start3A_199 = arith.constant 0 : i32
      %dma_start3A_200 = tpu.memref_slice %arg4[%dma_start3A_191, %dma_start3A_198, %dma_start3A_199] : memref<8x64x128xf32, #tpu.memory_space<vmem>> -> memref<1x64x128xf32, #tpu.memory_space<vmem>>
      %dma_start3A_201 = tpu.memref_squeeze %dma_start3A_200 : memref<1x64x128xf32, #tpu.memory_space<vmem>> -> memref<64x128xf32, #tpu.memory_space<vmem>>
      %dma_start3A_202 = arith.constant 0 : i32
      %dma_start3A_203 = tpu.memref_slice %arg2[%dma_start3A_202, %multiple_of3A_190] : memref<64x1000000xf32, #tpu.memory_space<hbm>> -> memref<64x128xf32, #tpu.memory_space<hbm>>
      tpu.enqueue_dma source(%dma_start3A_203 : memref<64x128xf32, #tpu.memory_space<hbm>>) target(%dma_start3A_201 : memref<64x128xf32, #tpu.memory_space<vmem>>) target_semaphore(%arg6 : memref<!tpu.dma_semaphore, #tpu.memory_space<semaphore_mem>>)
      %add3A_204 = arith.constant 78125 : i32
      %add3A_205 = arith.addi %add3A_3, %add3A_204 : i32
      %jit3A_206 = arith.constant 128 : i32
      %div3A_207 = arith.divsi %add3A_205, %jit3A_206 : i32
      %sign3A_208 = arith.constant 0 : i32
      %sign3A_209 = arith.cmpi sgt, %add3A_205, %sign3A_208 : i32
      %sign3A_210 = arith.extui %sign3A_209 : i1 to i32
      %sign3A_211 = arith.constant 0 : i32
      %sign3A_212 = arith.cmpi slt, %add3A_205, %sign3A_211 : i32
      %sign3A_213 = arith.extui %sign3A_212 : i1 to i32
      %sign3A_214 = arith.subi %sign3A_210, %sign3A_213 : i32
      %sign3A_215 = arith.constant 0 : i32
      %sign3A_216 = arith.cmpi sgt, %jit3A_206, %sign3A_215 : i32
      %sign3A_217 = arith.extui %sign3A_216 : i1 to i32
      %sign3A_218 = arith.constant 0 : i32
      %sign3A_219 = arith.cmpi slt, %jit3A_206, %sign3A_218 : i32
      %sign3A_220 = arith.extui %sign3A_219 : i1 to i32
      %sign3A_221 = arith.subi %sign3A_217, %sign3A_220 : i32
      %ne3A_222 = arith.cmpi ne, %sign3A_214, %sign3A_221 : i32
      %rem3A_223 = arith.remsi %add3A_205, %jit3A_206 : i32
      %ne3A_224 = arith.constant 0 : i32
      %ne3A_225 = arith.cmpi ne, %rem3A_223, %ne3A_224 : i32
      %and3A_226 = arith.andi %ne3A_222, %ne3A_225 : i1
      %sub3A_227 = arith.constant 1 : i32
      %sub3A_228 = arith.subi %div3A_207, %sub3A_227 : i32
      %select_n3A_229 = arith.select %and3A_226, %sub3A_228, %div3A_207 : i32
      %mul3A_230 = arith.constant 128 : i32
      %mul3A_231 = arith.muli %select_n3A_229, %mul3A_230 : i32
      %multiple_of3A_232 = tpu.assume_multiple %mul3A_231, 128 : i32
      %dma_start3A_233 = arith.constant 5 : i32
      %dma_start3A_234 = arith.constant 0 : i32
      %dma_start3A_235 = arith.constant 0 : i32
      %dma_start3A_236 = tpu.memref_slice %arg4[%dma_start3A_233, %dma_start3A_234, %dma_start3A_235] : memref<8x64x128xf32, #tpu.memory_space<vmem>> -> memref<1x64x128xf32, #tpu.memory_space<vmem>>
      %dma_start3A_237 = tpu.memref_squeeze %dma_start3A_236 : memref<1x64x128xf32, #tpu.memory_space<vmem>> -> memref<64x128xf32, #tpu.memory_space<vmem>>
      %dma_start3A_238 = arith.constant 0 : i32
      %dma_start3A_239 = tpu.memref_slice %arg2[%dma_start3A_238, %multiple_of3A_232] : memref<64x1000000xf32, #tpu.memory_space<hbm>> -> memref<64x128xf32, #tpu.memory_space<hbm>>
      %dma_start3A_240 = arith.constant 0 : i32
      %dma_start3A_241 = arith.constant 0 : i32
      %dma_start3A_242 = tpu.memref_slice %arg4[%dma_start3A_233, %dma_start3A_240, %dma_start3A_241] : memref<8x64x128xf32, #tpu.memory_space<vmem>> -> memref<1x64x128xf32, #tpu.memory_space<vmem>>
      %dma_start3A_243 = tpu.memref_squeeze %dma_start3A_242 : memref<1x64x128xf32, #tpu.memory_space<vmem>> -> memref<64x128xf32, #tpu.memory_space<vmem>>
      %dma_start3A_244 = arith.constant 0 : i32
      %dma_start3A_245 = tpu.memref_slice %arg2[%dma_start3A_244, %multiple_of3A_232] : memref<64x1000000xf32, #tpu.memory_space<hbm>> -> memref<64x128xf32, #tpu.memory_space<hbm>>
      tpu.enqueue_dma source(%dma_start3A_245 : memref<64x128xf32, #tpu.memory_space<hbm>>) target(%dma_start3A_243 : memref<64x128xf32, #tpu.memory_space<vmem>>) target_semaphore(%arg6 : memref<!tpu.dma_semaphore, #tpu.memory_space<semaphore_mem>>)
      %add3A_246 = arith.constant 93750 : i32
      %add3A_247 = arith.addi %add3A_3, %add3A_246 : i32
      %jit3A_248 = arith.constant 128 : i32
      %div3A_249 = arith.divsi %add3A_247, %jit3A_248 : i32
      %sign3A_250 = arith.constant 0 : i32
      %sign3A_251 = arith.cmpi sgt, %add3A_247, %sign3A_250 : i32
      %sign3A_252 = arith.extui %sign3A_251 : i1 to i32
      %sign3A_253 = arith.constant 0 : i32
      %sign3A_254 = arith.cmpi slt, %add3A_247, %sign3A_253 : i32
      %sign3A_255 = arith.extui %sign3A_254 : i1 to i32
      %sign3A_256 = arith.subi %sign3A_252, %sign3A_255 : i32
      %sign3A_257 = arith.constant 0 : i32
      %sign3A_258 = arith.cmpi sgt, %jit3A_248, %sign3A_257 : i32
      %sign3A_259 = arith.extui %sign3A_258 : i1 to i32
      %sign3A_260 = arith.constant 0 : i32
      %sign3A_261 = arith.cmpi slt, %jit3A_248, %sign3A_260 : i32
      %sign3A_262 = arith.extui %sign3A_261 : i1 to i32
      %sign3A_263 = arith.subi %sign3A_259, %sign3A_262 : i32
      %ne3A_264 = arith.cmpi ne, %sign3A_256, %sign3A_263 : i32
      %rem3A_265 = arith.remsi %add3A_247, %jit3A_248 : i32
      %ne3A_266 = arith.constant 0 : i32
      %ne3A_267 = arith.cmpi ne, %rem3A_265, %ne3A_266 : i32
      %and3A_268 = arith.andi %ne3A_264, %ne3A_267 : i1
      %sub3A_269 = arith.constant 1 : i32
      %sub3A_270 = arith.subi %div3A_249, %sub3A_269 : i32
      %select_n3A_271 = arith.select %and3A_268, %sub3A_270, %div3A_249 : i32
      %mul3A_272 = arith.constant 128 : i32
      %mul3A_273 = arith.muli %select_n3A_271, %mul3A_272 : i32
      %multiple_of3A_274 = tpu.assume_multiple %mul3A_273, 128 : i32
      %dma_start3A_275 = arith.constant 6 : i32
      %dma_start3A_276 = arith.constant 0 : i32
      %dma_start3A_277 = arith.constant 0 : i32
      %dma_start3A_278 = tpu.memref_slice %arg4[%dma_start3A_275, %dma_start3A_276, %dma_start3A_277] : memref<8x64x128xf32, #tpu.memory_space<vmem>> -> memref<1x64x128xf32, #tpu.memory_space<vmem>>
      %dma_start3A_279 = tpu.memref_squeeze %dma_start3A_278 : memref<1x64x128xf32, #tpu.memory_space<vmem>> -> memref<64x128xf32, #tpu.memory_space<vmem>>
      %dma_start3A_280 = arith.constant 0 : i32
      %dma_start3A_281 = tpu.memref_slice %arg2[%dma_start3A_280, %multiple_of3A_274] : memref<64x1000000xf32, #tpu.memory_space<hbm>> -> memref<64x128xf32, #tpu.memory_space<hbm>>
      %dma_start3A_282 = arith.constant 0 : i32
      %dma_start3A_283 = arith.constant 0 : i32
      %dma_start3A_284 = tpu.memref_slice %arg4[%dma_start3A_275, %dma_start3A_282, %dma_start3A_283] : memref<8x64x128xf32, #tpu.memory_space<vmem>> -> memref<1x64x128xf32, #tpu.memory_space<vmem>>
      %dma_start3A_285 = tpu.memref_squeeze %dma_start3A_284 : memref<1x64x128xf32, #tpu.memory_space<vmem>> -> memref<64x128xf32, #tpu.memory_space<vmem>>
      %dma_start3A_286 = arith.constant 0 : i32
      %dma_start3A_287 = tpu.memref_slice %arg2[%dma_start3A_286, %multiple_of3A_274] : memref<64x1000000xf32, #tpu.memory_space<hbm>> -> memref<64x128xf32, #tpu.memory_space<hbm>>
      tpu.enqueue_dma source(%dma_start3A_287 : memref<64x128xf32, #tpu.memory_space<hbm>>) target(%dma_start3A_285 : memref<64x128xf32, #tpu.memory_space<vmem>>) target_semaphore(%arg6 : memref<!tpu.dma_semaphore, #tpu.memory_space<semaphore_mem>>)
      %add3A_288 = arith.constant 109375 : i32
      %add3A_289 = arith.addi %add3A_3, %add3A_288 : i32
      %jit3A_290 = arith.constant 128 : i32
      %div3A_291 = arith.divsi %add3A_289, %jit3A_290 : i32
      %sign3A_292 = arith.constant 0 : i32
      %sign3A_293 = arith.cmpi sgt, %add3A_289, %sign3A_292 : i32
      %sign3A_294 = arith.extui %sign3A_293 : i1 to i32
      %sign3A_295 = arith.constant 0 : i32
      %sign3A_296 = arith.cmpi slt, %add3A_289, %sign3A_295 : i32
      %sign3A_297 = arith.extui %sign3A_296 : i1 to i32
      %sign3A_298 = arith.subi %sign3A_294, %sign3A_297 : i32
      %sign3A_299 = arith.constant 0 : i32
      %sign3A_300 = arith.cmpi sgt, %jit3A_290, %sign3A_299 : i32
      %sign3A_301 = arith.extui %sign3A_300 : i1 to i32
      %sign3A_302 = arith.constant 0 : i32
      %sign3A_303 = arith.cmpi slt, %jit3A_290, %sign3A_302 : i32
      %sign3A_304 = arith.extui %sign3A_303 : i1 to i32
      %sign3A_305 = arith.subi %sign3A_301, %sign3A_304 : i32
      %ne3A_306 = arith.cmpi ne, %sign3A_298, %sign3A_305 : i32
      %rem3A_307 = arith.remsi %add3A_289, %jit3A_290 : i32
      %ne3A_308 = arith.constant 0 : i32
      %ne3A_309 = arith.cmpi ne, %rem3A_307, %ne3A_308 : i32
      %and3A_310 = arith.andi %ne3A_306, %ne3A_309 : i1
      %sub3A_311 = arith.constant 1 : i32
      %sub3A_312 = arith.subi %div3A_291, %sub3A_311 : i32
      %select_n3A_313 = arith.select %and3A_310, %sub3A_312, %div3A_291 : i32
      %mul3A_314 = arith.constant 128 : i32
      %mul3A_315 = arith.muli %select_n3A_313, %mul3A_314 : i32
      %multiple_of3A_316 = tpu.assume_multiple %mul3A_315, 128 : i32
      %dma_start3A_317 = arith.constant 7 : i32
      %dma_start3A_318 = arith.constant 0 : i32
      %dma_start3A_319 = arith.constant 0 : i32
      %dma_start3A_320 = tpu.memref_slice %arg4[%dma_start3A_317, %dma_start3A_318, %dma_start3A_319] : memref<8x64x128xf32, #tpu.memory_space<vmem>> -> memref<1x64x128xf32, #tpu.memory_space<vmem>>
      %dma_start3A_321 = tpu.memref_squeeze %dma_start3A_320 : memref<1x64x128xf32, #tpu.memory_space<vmem>> -> memref<64x128xf32, #tpu.memory_space<vmem>>
      %dma_start3A_322 = arith.constant 0 : i32
      %dma_start3A_323 = tpu.memref_slice %arg2[%dma_start3A_322, %multiple_of3A_316] : memref<64x1000000xf32, #tpu.memory_space<hbm>> -> memref<64x128xf32, #tpu.memory_space<hbm>>
      %dma_start3A_324 = arith.constant 0 : i32
      %dma_start3A_325 = arith.constant 0 : i32
      %dma_start3A_326 = tpu.memref_slice %arg4[%dma_start3A_317, %dma_start3A_324, %dma_start3A_325] : memref<8x64x128xf32, #tpu.memory_space<vmem>> -> memref<1x64x128xf32, #tpu.memory_space<vmem>>
      %dma_start3A_327 = tpu.memref_squeeze %dma_start3A_326 : memref<1x64x128xf32, #tpu.memory_space<vmem>> -> memref<64x128xf32, #tpu.memory_space<vmem>>
      %dma_start3A_328 = arith.constant 0 : i32
      %dma_start3A_329 = tpu.memref_slice %arg2[%dma_start3A_328, %multiple_of3A_316] : memref<64x1000000xf32, #tpu.memory_space<hbm>> -> memref<64x128xf32, #tpu.memory_space<hbm>>
      tpu.enqueue_dma source(%dma_start3A_329 : memref<64x128xf32, #tpu.memory_space<hbm>>) target(%dma_start3A_327 : memref<64x128xf32, #tpu.memory_space<vmem>>) target_semaphore(%arg6 : memref<!tpu.dma_semaphore, #tpu.memory_space<semaphore_mem>>)
      %dma_wait3A = arith.constant 0 : i32
      %dma_wait3A_330 = arith.constant 0 : i32
      %dma_wait3A_331 = arith.constant 0 : i32
      %dma_wait3A_332 = tpu.memref_slice %arg4[%dma_wait3A, %dma_wait3A_330, %dma_wait3A_331] : memref<8x64x128xf32, #tpu.memory_space<vmem>> -> memref<1x64x128xf32, #tpu.memory_space<vmem>>
      %dma_wait3A_333 = tpu.memref_squeeze %dma_wait3A_332 : memref<1x64x128xf32, #tpu.memory_space<vmem>> -> memref<64x128xf32, #tpu.memory_space<vmem>>
      %dma_wait3A_334 = arith.constant 0 : i32
      %dma_wait3A_335 = tpu.memref_slice %arg2[%dma_wait3A_334, %multiple_of3A] : memref<64x1000000xf32, #tpu.memory_space<hbm>> -> memref<64x128xf32, #tpu.memory_space<hbm>>
      %dma_wait3A_336 = arith.constant 0 : i32
      %dma_wait3A_337 = arith.constant 0 : i32
      %dma_wait3A_338 = tpu.memref_slice %arg4[%dma_wait3A, %dma_wait3A_336, %dma_wait3A_337] : memref<8x64x128xf32, #tpu.memory_space<vmem>> -> memref<1x64x128xf32, #tpu.memory_space<vmem>>
      %dma_wait3A_339 = tpu.memref_squeeze %dma_wait3A_338 : memref<1x64x128xf32, #tpu.memory_space<vmem>> -> memref<64x128xf32, #tpu.memory_space<vmem>>
      %dma_wait3A_340 = arith.constant 0 : i32
      %dma_wait3A_341 = tpu.memref_slice %arg2[%dma_wait3A_340, %multiple_of3A] : memref<64x1000000xf32, #tpu.memory_space<hbm>> -> memref<64x128xf32, #tpu.memory_space<hbm>>
      tpu.wait_dma2 semaphore(%arg6 : memref<!tpu.dma_semaphore, #tpu.memory_space<semaphore_mem>>) src(%dma_wait3A_341 : memref<64x128xf32, #tpu.memory_space<hbm>>) dst(%dma_wait3A_339 : memref<64x128xf32, #tpu.memory_space<vmem>>)
      %dma_wait3A_342 = arith.constant 1 : i32
      %dma_wait3A_343 = arith.constant 0 : i32
      %dma_wait3A_344 = arith.constant 0 : i32
      %dma_wait3A_345 = tpu.memref_slice %arg4[%dma_wait3A_342, %dma_wait3A_343, %dma_wait3A_344] : memref<8x64x128xf32, #tpu.memory_space<vmem>> -> memref<1x64x128xf32, #tpu.memory_space<vmem>>
      %dma_wait3A_346 = tpu.memref_squeeze %dma_wait3A_345 : memref<1x64x128xf32, #tpu.memory_space<vmem>> -> memref<64x128xf32, #tpu.memory_space<vmem>>
      %dma_wait3A_347 = arith.constant 0 : i32
      %dma_wait3A_348 = tpu.memref_slice %arg2[%dma_wait3A_347, %multiple_of3A_64] : memref<64x1000000xf32, #tpu.memory_space<hbm>> -> memref<64x128xf32, #tpu.memory_space<hbm>>
      %dma_wait3A_349 = arith.constant 0 : i32
      %dma_wait3A_350 = arith.constant 0 : i32
      %dma_wait3A_351 = tpu.memref_slice %arg4[%dma_wait3A_342, %dma_wait3A_349, %dma_wait3A_350] : memref<8x64x128xf32, #tpu.memory_space<vmem>> -> memref<1x64x128xf32, #tpu.memory_space<vmem>>
      %dma_wait3A_352 = tpu.memref_squeeze %dma_wait3A_351 : memref<1x64x128xf32, #tpu.memory_space<vmem>> -> memref<64x128xf32, #tpu.memory_space<vmem>>
      %dma_wait3A_353 = arith.constant 0 : i32
      %dma_wait3A_354 = tpu.memref_slice %arg2[%dma_wait3A_353, %multiple_of3A_64] : memref<64x1000000xf32, #tpu.memory_space<hbm>> -> memref<64x128xf32, #tpu.memory_space<hbm>>
      tpu.wait_dma2 semaphore(%arg6 : memref<!tpu.dma_semaphore, #tpu.memory_space<semaphore_mem>>) src(%dma_wait3A_354 : memref<64x128xf32, #tpu.memory_space<hbm>>) dst(%dma_wait3A_352 : memref<64x128xf32, #tpu.memory_space<vmem>>)
      %dma_wait3A_355 = arith.constant 2 : i32
      %dma_wait3A_356 = arith.constant 0 : i32
      %dma_wait3A_357 = arith.constant 0 : i32
      %dma_wait3A_358 = tpu.memref_slice %arg4[%dma_wait3A_355, %dma_wait3A_356, %dma_wait3A_357] : memref<8x64x128xf32, #tpu.memory_space<vmem>> -> memref<1x64x128xf32, #tpu.memory_space<vmem>>
      %dma_wait3A_359 = tpu.memref_squeeze %dma_wait3A_358 : memref<1x64x128xf32, #tpu.memory_space<vmem>> -> memref<64x128xf32, #tpu.memory_space<vmem>>
      %dma_wait3A_360 = arith.constant 0 : i32
      %dma_wait3A_361 = tpu.memref_slice %arg2[%dma_wait3A_360, %multiple_of3A_106] : memref<64x1000000xf32, #tpu.memory_space<hbm>> -> memref<64x128xf32, #tpu.memory_space<hbm>>
      %dma_wait3A_362 = arith.constant 0 : i32
      %dma_wait3A_363 = arith.constant 0 : i32
      %dma_wait3A_364 = tpu.memref_slice %arg4[%dma_wait3A_355, %dma_wait3A_362, %dma_wait3A_363] : memref<8x64x128xf32, #tpu.memory_space<vmem>> -> memref<1x64x128xf32, #tpu.memory_space<vmem>>
      %dma_wait3A_365 = tpu.memref_squeeze %dma_wait3A_364 : memref<1x64x128xf32, #tpu.memory_space<vmem>> -> memref<64x128xf32, #tpu.memory_space<vmem>>
      %dma_wait3A_366 = arith.constant 0 : i32
      %dma_wait3A_367 = tpu.memref_slice %arg2[%dma_wait3A_366, %multiple_of3A_106] : memref<64x1000000xf32, #tpu.memory_space<hbm>> -> memref<64x128xf32, #tpu.memory_space<hbm>>
      tpu.wait_dma2 semaphore(%arg6 : memref<!tpu.dma_semaphore, #tpu.memory_space<semaphore_mem>>) src(%dma_wait3A_367 : memref<64x128xf32, #tpu.memory_space<hbm>>) dst(%dma_wait3A_365 : memref<64x128xf32, #tpu.memory_space<vmem>>)
      %dma_wait3A_368 = arith.constant 3 : i32
      %dma_wait3A_369 = arith.constant 0 : i32
      %dma_wait3A_370 = arith.constant 0 : i32
      %dma_wait3A_371 = tpu.memref_slice %arg4[%dma_wait3A_368, %dma_wait3A_369, %dma_wait3A_370] : memref<8x64x128xf32, #tpu.memory_space<vmem>> -> memref<1x64x128xf32, #tpu.memory_space<vmem>>
      %dma_wait3A_372 = tpu.memref_squeeze %dma_wait3A_371 : memref<1x64x128xf32, #tpu.memory_space<vmem>> -> memref<64x128xf32, #tpu.memory_space<vmem>>
      %dma_wait3A_373 = arith.constant 0 : i32
      %dma_wait3A_374 = tpu.memref_slice %arg2[%dma_wait3A_373, %multiple_of3A_148] : memref<64x1000000xf32, #tpu.memory_space<hbm>> -> memref<64x128xf32, #tpu.memory_space<hbm>>
      %dma_wait3A_375 = arith.constant 0 : i32
      %dma_wait3A_376 = arith.constant 0 : i32
      %dma_wait3A_377 = tpu.memref_slice %arg4[%dma_wait3A_368, %dma_wait3A_375, %dma_wait3A_376] : memref<8x64x128xf32, #tpu.memory_space<vmem>> -> memref<1x64x128xf32, #tpu.memory_space<vmem>>
      %dma_wait3A_378 = tpu.memref_squeeze %dma_wait3A_377 : memref<1x64x128xf32, #tpu.memory_space<vmem>> -> memref<64x128xf32, #tpu.memory_space<vmem>>
      %dma_wait3A_379 = arith.constant 0 : i32
      %dma_wait3A_380 = tpu.memref_slice %arg2[%dma_wait3A_379, %multiple_of3A_148] : memref<64x1000000xf32, #tpu.memory_space<hbm>> -> memref<64x128xf32, #tpu.memory_space<hbm>>
      tpu.wait_dma2 semaphore(%arg6 : memref<!tpu.dma_semaphore, #tpu.memory_space<semaphore_mem>>) src(%dma_wait3A_380 : memref<64x128xf32, #tpu.memory_space<hbm>>) dst(%dma_wait3A_378 : memref<64x128xf32, #tpu.memory_space<vmem>>)
      %dma_wait3A_381 = arith.constant 4 : i32
      %dma_wait3A_382 = arith.constant 0 : i32
      %dma_wait3A_383 = arith.constant 0 : i32
      %dma_wait3A_384 = tpu.memref_slice %arg4[%dma_wait3A_381, %dma_wait3A_382, %dma_wait3A_383] : memref<8x64x128xf32, #tpu.memory_space<vmem>> -> memref<1x64x128xf32, #tpu.memory_space<vmem>>
      %dma_wait3A_385 = tpu.memref_squeeze %dma_wait3A_384 : memref<1x64x128xf32, #tpu.memory_space<vmem>> -> memref<64x128xf32, #tpu.memory_space<vmem>>
      %dma_wait3A_386 = arith.constant 0 : i32
      %dma_wait3A_387 = tpu.memref_slice %arg2[%dma_wait3A_386, %multiple_of3A_190] : memref<64x1000000xf32, #tpu.memory_space<hbm>> -> memref<64x128xf32, #tpu.memory_space<hbm>>
      %dma_wait3A_388 = arith.constant 0 : i32
      %dma_wait3A_389 = arith.constant 0 : i32
      %dma_wait3A_390 = tpu.memref_slice %arg4[%dma_wait3A_381, %dma_wait3A_388, %dma_wait3A_389] : memref<8x64x128xf32, #tpu.memory_space<vmem>> -> memref<1x64x128xf32, #tpu.memory_space<vmem>>
      %dma_wait3A_391 = tpu.memref_squeeze %dma_wait3A_390 : memref<1x64x128xf32, #tpu.memory_space<vmem>> -> memref<64x128xf32, #tpu.memory_space<vmem>>
      %dma_wait3A_392 = arith.constant 0 : i32
      %dma_wait3A_393 = tpu.memref_slice %arg2[%dma_wait3A_392, %multiple_of3A_190] : memref<64x1000000xf32, #tpu.memory_space<hbm>> -> memref<64x128xf32, #tpu.memory_space<hbm>>
      tpu.wait_dma2 semaphore(%arg6 : memref<!tpu.dma_semaphore, #tpu.memory_space<semaphore_mem>>) src(%dma_wait3A_393 : memref<64x128xf32, #tpu.memory_space<hbm>>) dst(%dma_wait3A_391 : memref<64x128xf32, #tpu.memory_space<vmem>>)
      %dma_wait3A_394 = arith.constant 5 : i32
      %dma_wait3A_395 = arith.constant 0 : i32
      %dma_wait3A_396 = arith.constant 0 : i32
      %dma_wait3A_397 = tpu.memref_slice %arg4[%dma_wait3A_394, %dma_wait3A_395, %dma_wait3A_396] : memref<8x64x128xf32, #tpu.memory_space<vmem>> -> memref<1x64x128xf32, #tpu.memory_space<vmem>>
      %dma_wait3A_398 = tpu.memref_squeeze %dma_wait3A_397 : memref<1x64x128xf32, #tpu.memory_space<vmem>> -> memref<64x128xf32, #tpu.memory_space<vmem>>
      %dma_wait3A_399 = arith.constant 0 : i32
      %dma_wait3A_400 = tpu.memref_slice %arg2[%dma_wait3A_399, %multiple_of3A_232] : memref<64x1000000xf32, #tpu.memory_space<hbm>> -> memref<64x128xf32, #tpu.memory_space<hbm>>
      %dma_wait3A_401 = arith.constant 0 : i32
      %dma_wait3A_402 = arith.constant 0 : i32
      %dma_wait3A_403 = tpu.memref_slice %arg4[%dma_wait3A_394, %dma_wait3A_401, %dma_wait3A_402] : memref<8x64x128xf32, #tpu.memory_space<vmem>> -> memref<1x64x128xf32, #tpu.memory_space<vmem>>
      %dma_wait3A_404 = tpu.memref_squeeze %dma_wait3A_403 : memref<1x64x128xf32, #tpu.memory_space<vmem>> -> memref<64x128xf32, #tpu.memory_space<vmem>>
      %dma_wait3A_405 = arith.constant 0 : i32
      %dma_wait3A_406 = tpu.memref_slice %arg2[%dma_wait3A_405, %multiple_of3A_232] : memref<64x1000000xf32, #tpu.memory_space<hbm>> -> memref<64x128xf32, #tpu.memory_space<hbm>>
      tpu.wait_dma2 semaphore(%arg6 : memref<!tpu.dma_semaphore, #tpu.memory_space<semaphore_mem>>) src(%dma_wait3A_406 : memref<64x128xf32, #tpu.memory_space<hbm>>) dst(%dma_wait3A_404 : memref<64x128xf32, #tpu.memory_space<vmem>>)
      %dma_wait3A_407 = arith.constant 6 : i32
      %dma_wait3A_408 = arith.constant 0 : i32
      %dma_wait3A_409 = arith.constant 0 : i32
      %dma_wait3A_410 = tpu.memref_slice %arg4[%dma_wait3A_407, %dma_wait3A_408, %dma_wait3A_409] : memref<8x64x128xf32, #tpu.memory_space<vmem>> -> memref<1x64x128xf32, #tpu.memory_space<vmem>>
      %dma_wait3A_411 = tpu.memref_squeeze %dma_wait3A_410 : memref<1x64x128xf32, #tpu.memory_space<vmem>> -> memref<64x128xf32, #tpu.memory_space<vmem>>
      %dma_wait3A_412 = arith.constant 0 : i32
      %dma_wait3A_413 = tpu.memref_slice %arg2[%dma_wait3A_412, %multiple_of3A_274] : memref<64x1000000xf32, #tpu.memory_space<hbm>> -> memref<64x128xf32, #tpu.memory_space<hbm>>
      %dma_wait3A_414 = arith.constant 0 : i32
      %dma_wait3A_415 = arith.constant 0 : i32
      %dma_wait3A_416 = tpu.memref_slice %arg4[%dma_wait3A_407, %dma_wait3A_414, %dma_wait3A_415] : memref<8x64x128xf32, #tpu.memory_space<vmem>> -> memref<1x64x128xf32, #tpu.memory_space<vmem>>
      %dma_wait3A_417 = tpu.memref_squeeze %dma_wait3A_416 : memref<1x64x128xf32, #tpu.memory_space<vmem>> -> memref<64x128xf32, #tpu.memory_space<vmem>>
      %dma_wait3A_418 = arith.constant 0 : i32
      %dma_wait3A_419 = tpu.memref_slice %arg2[%dma_wait3A_418, %multiple_of3A_274] : memref<64x1000000xf32, #tpu.memory_space<hbm>> -> memref<64x128xf32, #tpu.memory_space<hbm>>
      tpu.wait_dma2 semaphore(%arg6 : memref<!tpu.dma_semaphore, #tpu.memory_space<semaphore_mem>>) src(%dma_wait3A_419 : memref<64x128xf32, #tpu.memory_space<hbm>>) dst(%dma_wait3A_417 : memref<64x128xf32, #tpu.memory_space<vmem>>)
      %dma_wait3A_420 = arith.constant 7 : i32
      %dma_wait3A_421 = arith.constant 0 : i32
      %dma_wait3A_422 = arith.constant 0 : i32
      %dma_wait3A_423 = tpu.memref_slice %arg4[%dma_wait3A_420, %dma_wait3A_421, %dma_wait3A_422] : memref<8x64x128xf32, #tpu.memory_space<vmem>> -> memref<1x64x128xf32, #tpu.memory_space<vmem>>
      %dma_wait3A_424 = tpu.memref_squeeze %dma_wait3A_423 : memref<1x64x128xf32, #tpu.memory_space<vmem>> -> memref<64x128xf32, #tpu.memory_space<vmem>>
      %dma_wait3A_425 = arith.constant 0 : i32
      %dma_wait3A_426 = tpu.memref_slice %arg2[%dma_wait3A_425, %multiple_of3A_316] : memref<64x1000000xf32, #tpu.memory_space<hbm>> -> memref<64x128xf32, #tpu.memory_space<hbm>>
      %dma_wait3A_427 = arith.constant 0 : i32
      %dma_wait3A_428 = arith.constant 0 : i32
      %dma_wait3A_429 = tpu.memref_slice %arg4[%dma_wait3A_420, %dma_wait3A_427, %dma_wait3A_428] : memref<8x64x128xf32, #tpu.memory_space<vmem>> -> memref<1x64x128xf32, #tpu.memory_space<vmem>>
      %dma_wait3A_430 = tpu.memref_squeeze %dma_wait3A_429 : memref<1x64x128xf32, #tpu.memory_space<vmem>> -> memref<64x128xf32, #tpu.memory_space<vmem>>
      %dma_wait3A_431 = arith.constant 0 : i32
      %dma_wait3A_432 = tpu.memref_slice %arg2[%dma_wait3A_431, %multiple_of3A_316] : memref<64x1000000xf32, #tpu.memory_space<hbm>> -> memref<64x128xf32, #tpu.memory_space<hbm>>
      tpu.wait_dma2 semaphore(%arg6 : memref<!tpu.dma_semaphore, #tpu.memory_space<semaphore_mem>>) src(%dma_wait3A_432 : memref<64x128xf32, #tpu.memory_space<hbm>>) dst(%dma_wait3A_430 : memref<64x128xf32, #tpu.memory_space<vmem>>)
      %add3A_433 = arith.constant 0 : i32
      %add3A_434 = arith.addi %add3A_3, %add3A_433 : i32
      %rem3A_435 = arith.constant 128 : i32
      %rem3A_436 = arith.remsi %add3A_434, %rem3A_435 : i32
      %broadcast_in_dim3A = vector.broadcast %rem3A_436 : i32 to vector<16xi32>
      %iota3A = tpu.iota {dimensions = array<i32: 0>} : vector<16xi32>
      %add3A_437 = arith.constant 0 : i32
      %add3A_438 = vector.broadcast %add3A_437 : i32 to vector<16xi32>
      %add3A_439 = arith.addi %iota3A, %add3A_438 : vector<16xi32>
      %gather3A = arith.constant 0 : i32
      %gather3A_440 = arith.constant 0 : i32
      %gather3A_441 = arith.constant 0 : i32
      %gather3A_442 = tpu.memref_slice %arg4[%gather3A, %gather3A_440, %gather3A_441] : memref<8x64x128xf32, #tpu.memory_space<vmem>> -> memref<1x64x128xf32, #tpu.memory_space<vmem>>
      %gather3A_443 = tpu.memref_squeeze %gather3A_442 : memref<1x64x128xf32, #tpu.memory_space<vmem>> -> memref<64x128xf32, #tpu.memory_space<vmem>>
      %gather3A_444 = tpu.vector_load_idx %gather3A_443[%add3A_439, %broadcast_in_dim3A] : memref<64x128xf32, #tpu.memory_space<vmem>>[vector<16xi32>, vector<16xi32>], vector<16xf32>,
      %mul3A_445 = arith.constant 2.000000e+00 : f32
      %mul3A_446 = vector.broadcast %mul3A_445 : f32 to vector<16xf32>
      %mul3A_447 = arith.mulf %gather3A_444, %mul3A_446 : vector<16xf32>
      %swap3A = arith.constant 0 : i32
      %swap3A_448 = arith.index_cast %swap3A : i32 to index
      %swap3A_449 = arith.constant 0 : index
      %swap3A_450 = tpu.vector_load %arg5[%swap3A_448, %swap3A_449] {strides = array<i32>} : memref<8x64xf32, #tpu.memory_space<vmem>>, vector<16xf32>,
      tpu.vector_store %arg5[%swap3A_448, %swap3A_449], %mul3A_447 {strides = array<i32>} : memref<8x64xf32, #tpu.memory_space<vmem>>, vector<16xf32>,
      %iota3A_451 = tpu.iota {dimensions = array<i32: 0>} : vector<16xi32>
      %add3A_452 = arith.constant 16 : i32
      %add3A_453 = vector.broadcast %add3A_452 : i32 to vector<16xi32>
      %add3A_454 = arith.addi %iota3A_451, %add3A_453 : vector<16xi32>
      %gather3A_455 = arith.constant 0 : i32
      %gather3A_456 = arith.constant 0 : i32
      %gather3A_457 = arith.constant 0 : i32
      %gather3A_458 = tpu.memref_slice %arg4[%gather3A_455, %gather3A_456, %gather3A_457] : memref<8x64x128xf32, #tpu.memory_space<vmem>> -> memref<1x64x128xf32, #tpu.memory_space<vmem>>
      %gather3A_459 = tpu.memref_squeeze %gather3A_458 : memref<1x64x128xf32, #tpu.memory_space<vmem>> -> memref<64x128xf32, #tpu.memory_space<vmem>>
      %gather3A_460 = tpu.vector_load_idx %gather3A_459[%add3A_454, %broadcast_in_dim3A] : memref<64x128xf32, #tpu.memory_space<vmem>>[vector<16xi32>, vector<16xi32>], vector<16xf32>,
      %mul3A_461 = arith.constant 2.000000e+00 : f32
      %mul3A_462 = vector.broadcast %mul3A_461 : f32 to vector<16xf32>
      %mul3A_463 = arith.mulf %gather3A_460, %mul3A_462 : vector<16xf32>
      %swap3A_464 = arith.constant 0 : i32
      %swap3A_465 = arith.index_cast %swap3A_464 : i32 to index
      %swap3A_466 = arith.constant 16 : index
      %swap3A_467 = tpu.vector_load %arg5[%swap3A_465, %swap3A_466] {strides = array<i32>} : memref<8x64xf32, #tpu.memory_space<vmem>>, vector<16xf32>,
      tpu.vector_store %arg5[%swap3A_465, %swap3A_466], %mul3A_463 {strides = array<i32>} : memref<8x64xf32, #tpu.memory_space<vmem>>, vector<16xf32>,
      %iota3A_468 = tpu.iota {dimensions = array<i32: 0>} : vector<16xi32>
      %add3A_469 = arith.constant 32 : i32
      %add3A_470 = vector.broadcast %add3A_469 : i32 to vector<16xi32>
      %add3A_471 = arith.addi %iota3A_468, %add3A_470 : vector<16xi32>
      %gather3A_472 = arith.constant 0 : i32
      %gather3A_473 = arith.constant 0 : i32
      %gather3A_474 = arith.constant 0 : i32
      %gather3A_475 = tpu.memref_slice %arg4[%gather3A_472, %gather3A_473, %gather3A_474] : memref<8x64x128xf32, #tpu.memory_space<vmem>> -> memref<1x64x128xf32, #tpu.memory_space<vmem>>
      %gather3A_476 = tpu.memref_squeeze %gather3A_475 : memref<1x64x128xf32, #tpu.memory_space<vmem>> -> memref<64x128xf32, #tpu.memory_space<vmem>>
      %gather3A_477 = tpu.vector_load_idx %gather3A_476[%add3A_471, %broadcast_in_dim3A] : memref<64x128xf32, #tpu.memory_space<vmem>>[vector<16xi32>, vector<16xi32>], vector<16xf32>,
      %mul3A_478 = arith.constant 2.000000e+00 : f32
      %mul3A_479 = vector.broadcast %mul3A_478 : f32 to vector<16xf32>
      %mul3A_480 = arith.mulf %gather3A_477, %mul3A_479 : vector<16xf32>
      %swap3A_481 = arith.constant 0 : i32
      %swap3A_482 = arith.index_cast %swap3A_481 : i32 to index
      %swap3A_483 = arith.constant 32 : index
      %swap3A_484 = tpu.vector_load %arg5[%swap3A_482, %swap3A_483] {strides = array<i32>} : memref<8x64xf32, #tpu.memory_space<vmem>>, vector<16xf32>,
      tpu.vector_store %arg5[%swap3A_482, %swap3A_483], %mul3A_480 {strides = array<i32>} : memref<8x64xf32, #tpu.memory_space<vmem>>, vector<16xf32>,
      %iota3A_485 = tpu.iota {dimensions = array<i32: 0>} : vector<16xi32>
      %add3A_486 = arith.constant 48 : i32
      %add3A_487 = vector.broadcast %add3A_486 : i32 to vector<16xi32>
      %add3A_488 = arith.addi %iota3A_485, %add3A_487 : vector<16xi32>
      %gather3A_489 = arith.constant 0 : i32
      %gather3A_490 = arith.constant 0 : i32
      %gather3A_491 = arith.constant 0 : i32
      %gather3A_492 = tpu.memref_slice %arg4[%gather3A_489, %gather3A_490, %gather3A_491] : memref<8x64x128xf32, #tpu.memory_space<vmem>> -> memref<1x64x128xf32, #tpu.memory_space<vmem>>
      %gather3A_493 = tpu.memref_squeeze %gather3A_492 : memref<1x64x128xf32, #tpu.memory_space<vmem>> -> memref<64x128xf32, #tpu.memory_space<vmem>>
      %gather3A_494 = tpu.vector_load_idx %gather3A_493[%add3A_488, %broadcast_in_dim3A] : memref<64x128xf32, #tpu.memory_space<vmem>>[vector<16xi32>, vector<16xi32>], vector<16xf32>,
      %mul3A_495 = arith.constant 2.000000e+00 : f32
      %mul3A_496 = vector.broadcast %mul3A_495 : f32 to vector<16xf32>
      %mul3A_497 = arith.mulf %gather3A_494, %mul3A_496 : vector<16xf32>
      %swap3A_498 = arith.constant 0 : i32
      %swap3A_499 = arith.index_cast %swap3A_498 : i32 to index
      %swap3A_500 = arith.constant 48 : index
      %swap3A_501 = tpu.vector_load %arg5[%swap3A_499, %swap3A_500] {strides = array<i32>} : memref<8x64xf32, #tpu.memory_space<vmem>>, vector<16xf32>,
      tpu.vector_store %arg5[%swap3A_499, %swap3A_500], %mul3A_497 {strides = array<i32>} : memref<8x64xf32, #tpu.memory_space<vmem>>, vector<16xf32>,
      %add3A_502 = arith.constant 15625 : i32
      %add3A_503 = arith.addi %add3A_3, %add3A_502 : i32
      %rem3A_504 = arith.constant 128 : i32
      %rem3A_505 = arith.remsi %add3A_503, %rem3A_504 : i32
      %broadcast_in_dim3A_506 = vector.broadcast %rem3A_505 : i32 to vector<16xi32>
      %iota3A_507 = tpu.iota {dimensions = array<i32: 0>} : vector<16xi32>
      %add3A_508 = arith.constant 0 : i32
      %add3A_509 = vector.broadcast %add3A_508 : i32 to vector<16xi32>
      %add3A_510 = arith.addi %iota3A_507, %add3A_509 : vector<16xi32>
      %gather3A_511 = arith.constant 1 : i32
      %gather3A_512 = arith.constant 0 : i32
      %gather3A_513 = arith.constant 0 : i32
      %gather3A_514 = tpu.memref_slice %arg4[%gather3A_511, %gather3A_512, %gather3A_513] : memref<8x64x128xf32, #tpu.memory_space<vmem>> -> memref<1x64x128xf32, #tpu.memory_space<vmem>>
      %gather3A_515 = tpu.memref_squeeze %gather3A_514 : memref<1x64x128xf32, #tpu.memory_space<vmem>> -> memref<64x128xf32, #tpu.memory_space<vmem>>
      %gather3A_516 = tpu.vector_load_idx %gather3A_515[%add3A_510, %broadcast_in_dim3A_506] : memref<64x128xf32, #tpu.memory_space<vmem>>[vector<16xi32>, vector<16xi32>], vector<16xf32>,
      %mul3A_517 = arith.constant 2.000000e+00 : f32
      %mul3A_518 = vector.broadcast %mul3A_517 : f32 to vector<16xf32>
      %mul3A_519 = arith.mulf %gather3A_516, %mul3A_518 : vector<16xf32>
      %swap3A_520 = arith.constant 1 : i32
      %swap3A_521 = arith.index_cast %swap3A_520 : i32 to index
      %swap3A_522 = arith.constant 0 : index
      %swap3A_523 = tpu.vector_load %arg5[%swap3A_521, %swap3A_522] {strides = array<i32>} : memref<8x64xf32, #tpu.memory_space<vmem>>, vector<16xf32>,
      tpu.vector_store %arg5[%swap3A_521, %swap3A_522], %mul3A_519 {strides = array<i32>} : memref<8x64xf32, #tpu.memory_space<vmem>>, vector<16xf32>,
      %iota3A_524 = tpu.iota {dimensions = array<i32: 0>} : vector<16xi32>
      %add3A_525 = arith.constant 16 : i32
      %add3A_526 = vector.broadcast %add3A_525 : i32 to vector<16xi32>
      %add3A_527 = arith.addi %iota3A_524, %add3A_526 : vector<16xi32>
      %gather3A_528 = arith.constant 1 : i32
      %gather3A_529 = arith.constant 0 : i32
      %gather3A_530 = arith.constant 0 : i32
      %gather3A_531 = tpu.memref_slice %arg4[%gather3A_528, %gather3A_529, %gather3A_530] : memref<8x64x128xf32, #tpu.memory_space<vmem>> -> memref<1x64x128xf32, #tpu.memory_space<vmem>>
      %gather3A_532 = tpu.memref_squeeze %gather3A_531 : memref<1x64x128xf32, #tpu.memory_space<vmem>> -> memref<64x128xf32, #tpu.memory_space<vmem>>
      %gather3A_533 = tpu.vector_load_idx %gather3A_532[%add3A_527, %broadcast_in_dim3A_506] : memref<64x128xf32, #tpu.memory_space<vmem>>[vector<16xi32>, vector<16xi32>], vector<16xf32>,
      %mul3A_534 = arith.constant 2.000000e+00 : f32
      %mul3A_535 = vector.broadcast %mul3A_534 : f32 to vector<16xf32>
      %mul3A_536 = arith.mulf %gather3A_533, %mul3A_535 : vector<16xf32>
      %swap3A_537 = arith.constant 1 : i32
      %swap3A_538 = arith.index_cast %swap3A_537 : i32 to index
      %swap3A_539 = arith.constant 16 : index
      %swap3A_540 = tpu.vector_load %arg5[%swap3A_538, %swap3A_539] {strides = array<i32>} : memref<8x64xf32, #tpu.memory_space<vmem>>, vector<16xf32>,
      tpu.vector_store %arg5[%swap3A_538, %swap3A_539], %mul3A_536 {strides = array<i32>} : memref<8x64xf32, #tpu.memory_space<vmem>>, vector<16xf32>,
      %iota3A_541 = tpu.iota {dimensions = array<i32: 0>} : vector<16xi32>
      %add3A_542 = arith.constant 32 : i32
      %add3A_543 = vector.broadcast %add3A_542 : i32 to vector<16xi32>
      %add3A_544 = arith.addi %iota3A_541, %add3A_543 : vector<16xi32>
      %gather3A_545 = arith.constant 1 : i32
      %gather3A_546 = arith.constant 0 : i32
      %gather3A_547 = arith.constant 0 : i32
      %gather3A_548 = tpu.memref_slice %arg4[%gather3A_545, %gather3A_546, %gather3A_547] : memref<8x64x128xf32, #tpu.memory_space<vmem>> -> memref<1x64x128xf32, #tpu.memory_space<vmem>>
      %gather3A_549 = tpu.memref_squeeze %gather3A_548 : memref<1x64x128xf32, #tpu.memory_space<vmem>> -> memref<64x128xf32, #tpu.memory_space<vmem>>
      %gather3A_550 = tpu.vector_load_idx %gather3A_549[%add3A_544, %broadcast_in_dim3A_506] : memref<64x128xf32, #tpu.memory_space<vmem>>[vector<16xi32>, vector<16xi32>], vector<16xf32>,
      %mul3A_551 = arith.constant 2.000000e+00 : f32
      %mul3A_552 = vector.broadcast %mul3A_551 : f32 to vector<16xf32>
      %mul3A_553 = arith.mulf %gather3A_550, %mul3A_552 : vector<16xf32>
      %swap3A_554 = arith.constant 1 : i32
      %swap3A_555 = arith.index_cast %swap3A_554 : i32 to index
      %swap3A_556 = arith.constant 32 : index
      %swap3A_557 = tpu.vector_load %arg5[%swap3A_555, %swap3A_556] {strides = array<i32>} : memref<8x64xf32, #tpu.memory_space<vmem>>, vector<16xf32>,
      tpu.vector_store %arg5[%swap3A_555, %swap3A_556], %mul3A_553 {strides = array<i32>} : memref<8x64xf32, #tpu.memory_space<vmem>>, vector<16xf32>,
      %iota3A_558 = tpu.iota {dimensions = array<i32: 0>} : vector<16xi32>
      %add3A_559 = arith.constant 48 : i32
      %add3A_560 = vector.broadcast %add3A_559 : i32 to vector<16xi32>
      %add3A_561 = arith.addi %iota3A_558, %add3A_560 : vector<16xi32>
      %gather3A_562 = arith.constant 1 : i32
      %gather3A_563 = arith.constant 0 : i32
      %gather3A_564 = arith.constant 0 : i32
      %gather3A_565 = tpu.memref_slice %arg4[%gather3A_562, %gather3A_563, %gather3A_564] : memref<8x64x128xf32, #tpu.memory_space<vmem>> -> memref<1x64x128xf32, #tpu.memory_space<vmem>>
      %gather3A_566 = tpu.memref_squeeze %gather3A_565 : memref<1x64x128xf32, #tpu.memory_space<vmem>> -> memref<64x128xf32, #tpu.memory_space<vmem>>
      %gather3A_567 = tpu.vector_load_idx %gather3A_566[%add3A_561, %broadcast_in_dim3A_506] : memref<64x128xf32, #tpu.memory_space<vmem>>[vector<16xi32>, vector<16xi32>], vector<16xf32>,
      %mul3A_568 = arith.constant 2.000000e+00 : f32
      %mul3A_569 = vector.broadcast %mul3A_568 : f32 to vector<16xf32>
      %mul3A_570 = arith.mulf %gather3A_567, %mul3A_569 : vector<16xf32>
      %swap3A_571 = arith.constant 1 : i32
      %swap3A_572 = arith.index_cast %swap3A_571 : i32 to index
      %swap3A_573 = arith.constant 48 : index
      %swap3A_574 = tpu.vector_load %arg5[%swap3A_572, %swap3A_573] {strides = array<i32>} : memref<8x64xf32, #tpu.memory_space<vmem>>, vector<16xf32>,
      tpu.vector_store %arg5[%swap3A_572, %swap3A_573], %mul3A_570 {strides = array<i32>} : memref<8x64xf32, #tpu.memory_space<vmem>>, vector<16xf32>,
      %add3A_575 = arith.constant 31250 : i32
      %add3A_576 = arith.addi %add3A_3, %add3A_575 : i32
      %rem3A_577 = arith.constant 128 : i32
      %rem3A_578 = arith.remsi %add3A_576, %rem3A_577 : i32
      %broadcast_in_dim3A_579 = vector.broadcast %rem3A_578 : i32 to vector<16xi32>
      %iota3A_580 = tpu.iota {dimensions = array<i32: 0>} : vector<16xi32>
      %add3A_581 = arith.constant 0 : i32
      %add3A_582 = vector.broadcast %add3A_581 : i32 to vector<16xi32>
      %add3A_583 = arith.addi %iota3A_580, %add3A_582 : vector<16xi32>
      %gather3A_584 = arith.constant 2 : i32
      %gather3A_585 = arith.constant 0 : i32
      %gather3A_586 = arith.constant 0 : i32
      %gather3A_587 = tpu.memref_slice %arg4[%gather3A_584, %gather3A_585, %gather3A_586] : memref<8x64x128xf32, #tpu.memory_space<vmem>> -> memref<1x64x128xf32, #tpu.memory_space<vmem>>
      %gather3A_588 = tpu.memref_squeeze %gather3A_587 : memref<1x64x128xf32, #tpu.memory_space<vmem>> -> memref<64x128xf32, #tpu.memory_space<vmem>>
      %gather3A_589 = tpu.vector_load_idx %gather3A_588[%add3A_583, %broadcast_in_dim3A_579] : memref<64x128xf32, #tpu.memory_space<vmem>>[vector<16xi32>, vector<16xi32>], vector<16xf32>,
      %mul3A_590 = arith.constant 2.000000e+00 : f32
      %mul3A_591 = vector.broadcast %mul3A_590 : f32 to vector<16xf32>
      %mul3A_592 = arith.mulf %gather3A_589, %mul3A_591 : vector<16xf32>
      %swap3A_593 = arith.constant 2 : i32
      %swap3A_594 = arith.index_cast %swap3A_593 : i32 to index
      %swap3A_595 = arith.constant 0 : index
      %swap3A_596 = tpu.vector_load %arg5[%swap3A_594, %swap3A_595] {strides = array<i32>} : memref<8x64xf32, #tpu.memory_space<vmem>>, vector<16xf32>,
      tpu.vector_store %arg5[%swap3A_594, %swap3A_595], %mul3A_592 {strides = array<i32>} : memref<8x64xf32, #tpu.memory_space<vmem>>, vector<16xf32>,
      %iota3A_597 = tpu.iota {dimensions = array<i32: 0>} : vector<16xi32>
      %add3A_598 = arith.constant 16 : i32
      %add3A_599 = vector.broadcast %add3A_598 : i32 to vector<16xi32>
      %add3A_600 = arith.addi %iota3A_597, %add3A_599 : vector<16xi32>
      %gather3A_601 = arith.constant 2 : i32
      %gather3A_602 = arith.constant 0 : i32
      %gather3A_603 = arith.constant 0 : i32
      %gather3A_604 = tpu.memref_slice %arg4[%gather3A_601, %gather3A_602, %gather3A_603] : memref<8x64x128xf32, #tpu.memory_space<vmem>> -> memref<1x64x128xf32, #tpu.memory_space<vmem>>
      %gather3A_605 = tpu.memref_squeeze %gather3A_604 : memref<1x64x128xf32, #tpu.memory_space<vmem>> -> memref<64x128xf32, #tpu.memory_space<vmem>>
      %gather3A_606 = tpu.vector_load_idx %gather3A_605[%add3A_600, %broadcast_in_dim3A_579] : memref<64x128xf32, #tpu.memory_space<vmem>>[vector<16xi32>, vector<16xi32>], vector<16xf32>,
      %mul3A_607 = arith.constant 2.000000e+00 : f32
      %mul3A_608 = vector.broadcast %mul3A_607 : f32 to vector<16xf32>
      %mul3A_609 = arith.mulf %gather3A_606, %mul3A_608 : vector<16xf32>
      %swap3A_610 = arith.constant 2 : i32
      %swap3A_611 = arith.index_cast %swap3A_610 : i32 to index
      %swap3A_612 = arith.constant 16 : index
      %swap3A_613 = tpu.vector_load %arg5[%swap3A_611, %swap3A_612] {strides = array<i32>} : memref<8x64xf32, #tpu.memory_space<vmem>>, vector<16xf32>,
      tpu.vector_store %arg5[%swap3A_611, %swap3A_612], %mul3A_609 {strides = array<i32>} : memref<8x64xf32, #tpu.memory_space<vmem>>, vector<16xf32>,
      %iota3A_614 = tpu.iota {dimensions = array<i32: 0>} : vector<16xi32>
      %add3A_615 = arith.constant 32 : i32
      %add3A_616 = vector.broadcast %add3A_615 : i32 to vector<16xi32>
      %add3A_617 = arith.addi %iota3A_614, %add3A_616 : vector<16xi32>
      %gather3A_618 = arith.constant 2 : i32
      %gather3A_619 = arith.constant 0 : i32
      %gather3A_620 = arith.constant 0 : i32
      %gather3A_621 = tpu.memref_slice %arg4[%gather3A_618, %gather3A_619, %gather3A_620] : memref<8x64x128xf32, #tpu.memory_space<vmem>> -> memref<1x64x128xf32, #tpu.memory_space<vmem>>
      %gather3A_622 = tpu.memref_squeeze %gather3A_621 : memref<1x64x128xf32, #tpu.memory_space<vmem>> -> memref<64x128xf32, #tpu.memory_space<vmem>>
      %gather3A_623 = tpu.vector_load_idx %gather3A_622[%add3A_617, %broadcast_in_dim3A_579] : memref<64x128xf32, #tpu.memory_space<vmem>>[vector<16xi32>, vector<16xi32>], vector<16xf32>,
      %mul3A_624 = arith.constant 2.000000e+00 : f32
      %mul3A_625 = vector.broadcast %mul3A_624 : f32 to vector<16xf32>
      %mul3A_626 = arith.mulf %gather3A_623, %mul3A_625 : vector<16xf32>
      %swap3A_627 = arith.constant 2 : i32
      %swap3A_628 = arith.index_cast %swap3A_627 : i32 to index
      %swap3A_629 = arith.constant 32 : index
      %swap3A_630 = tpu.vector_load %arg5[%swap3A_628, %swap3A_629] {strides = array<i32>} : memref<8x64xf32, #tpu.memory_space<vmem>>, vector<16xf32>,
      tpu.vector_store %arg5[%swap3A_628, %swap3A_629], %mul3A_626 {strides = array<i32>} : memref<8x64xf32, #tpu.memory_space<vmem>>, vector<16xf32>,
      %iota3A_631 = tpu.iota {dimensions = array<i32: 0>} : vector<16xi32>
      %add3A_632 = arith.constant 48 : i32
      %add3A_633 = vector.broadcast %add3A_632 : i32 to vector<16xi32>
      %add3A_634 = arith.addi %iota3A_631, %add3A_633 : vector<16xi32>
      %gather3A_635 = arith.constant 2 : i32
      %gather3A_636 = arith.constant 0 : i32
      %gather3A_637 = arith.constant 0 : i32
      %gather3A_638 = tpu.memref_slice %arg4[%gather3A_635, %gather3A_636, %gather3A_637] : memref<8x64x128xf32, #tpu.memory_space<vmem>> -> memref<1x64x128xf32, #tpu.memory_space<vmem>>
      %gather3A_639 = tpu.memref_squeeze %gather3A_638 : memref<1x64x128xf32, #tpu.memory_space<vmem>> -> memref<64x128xf32, #tpu.memory_space<vmem>>
      %gather3A_640 = tpu.vector_load_idx %gather3A_639[%add3A_634, %broadcast_in_dim3A_579] : memref<64x128xf32, #tpu.memory_space<vmem>>[vector<16xi32>, vector<16xi32>], vector<16xf32>,
      %mul3A_641 = arith.constant 2.000000e+00 : f32
      %mul3A_642 = vector.broadcast %mul3A_641 : f32 to vector<16xf32>
      %mul3A_643 = arith.mulf %gather3A_640, %mul3A_642 : vector<16xf32>
      %swap3A_644 = arith.constant 2 : i32
      %swap3A_645 = arith.index_cast %swap3A_644 : i32 to index
      %swap3A_646 = arith.constant 48 : index
      %swap3A_647 = tpu.vector_load %arg5[%swap3A_645, %swap3A_646] {strides = array<i32>} : memref<8x64xf32, #tpu.memory_space<vmem>>, vector<16xf32>,
      tpu.vector_store %arg5[%swap3A_645, %swap3A_646], %mul3A_643 {strides = array<i32>} : memref<8x64xf32, #tpu.memory_space<vmem>>, vector<16xf32>,
      %add3A_648 = arith.constant 46875 : i32
      %add3A_649 = arith.addi %add3A_3, %add3A_648 : i32
      %rem3A_650 = arith.constant 128 : i32
      %rem3A_651 = arith.remsi %add3A_649, %rem3A_650 : i32
      %broadcast_in_dim3A_652 = vector.broadcast %rem3A_651 : i32 to vector<16xi32>
      %iota3A_653 = tpu.iota {dimensions = array<i32: 0>} : vector<16xi32>
      %add3A_654 = arith.constant 0 : i32
      %add3A_655 = vector.broadcast %add3A_654 : i32 to vector<16xi32>
      %add3A_656 = arith.addi %iota3A_653, %add3A_655 : vector<16xi32>
      %gather3A_657 = arith.constant 3 : i32
      %gather3A_658 = arith.constant 0 : i32
      %gather3A_659 = arith.constant 0 : i32
      %gather3A_660 = tpu.memref_slice %arg4[%gather3A_657, %gather3A_658, %gather3A_659] : memref<8x64x128xf32, #tpu.memory_space<vmem>> -> memref<1x64x128xf32, #tpu.memory_space<vmem>>
      %gather3A_661 = tpu.memref_squeeze %gather3A_660 : memref<1x64x128xf32, #tpu.memory_space<vmem>> -> memref<64x128xf32, #tpu.memory_space<vmem>>
      %gather3A_662 = tpu.vector_load_idx %gather3A_661[%add3A_656, %broadcast_in_dim3A_652] : memref<64x128xf32, #tpu.memory_space<vmem>>[vector<16xi32>, vector<16xi32>], vector<16xf32>,
      %mul3A_663 = arith.constant 2.000000e+00 : f32
      %mul3A_664 = vector.broadcast %mul3A_663 : f32 to vector<16xf32>
      %mul3A_665 = arith.mulf %gather3A_662, %mul3A_664 : vector<16xf32>
      %swap3A_666 = arith.constant 3 : i32
      %swap3A_667 = arith.index_cast %swap3A_666 : i32 to index
      %swap3A_668 = arith.constant 0 : index
      %swap3A_669 = tpu.vector_load %arg5[%swap3A_667, %swap3A_668] {strides = array<i32>} : memref<8x64xf32, #tpu.memory_space<vmem>>, vector<16xf32>,
      tpu.vector_store %arg5[%swap3A_667, %swap3A_668], %mul3A_665 {strides = array<i32>} : memref<8x64xf32, #tpu.memory_space<vmem>>, vector<16xf32>,
      %iota3A_670 = tpu.iota {dimensions = array<i32: 0>} : vector<16xi32>
      %add3A_671 = arith.constant 16 : i32
      %add3A_672 = vector.broadcast %add3A_671 : i32 to vector<16xi32>
      %add3A_673 = arith.addi %iota3A_670, %add3A_672 : vector<16xi32>
      %gather3A_674 = arith.constant 3 : i32
      %gather3A_675 = arith.constant 0 : i32
      %gather3A_676 = arith.constant 0 : i32
      %gather3A_677 = tpu.memref_slice %arg4[%gather3A_674, %gather3A_675, %gather3A_676] : memref<8x64x128xf32, #tpu.memory_space<vmem>> -> memref<1x64x128xf32, #tpu.memory_space<vmem>>
      %gather3A_678 = tpu.memref_squeeze %gather3A_677 : memref<1x64x128xf32, #tpu.memory_space<vmem>> -> memref<64x128xf32, #tpu.memory_space<vmem>>
      %gather3A_679 = tpu.vector_load_idx %gather3A_678[%add3A_673, %broadcast_in_dim3A_652] : memref<64x128xf32, #tpu.memory_space<vmem>>[vector<16xi32>, vector<16xi32>], vector<16xf32>,
      %mul3A_680 = arith.constant 2.000000e+00 : f32
      %mul3A_681 = vector.broadcast %mul3A_680 : f32 to vector<16xf32>
      %mul3A_682 = arith.mulf %gather3A_679, %mul3A_681 : vector<16xf32>
      %swap3A_683 = arith.constant 3 : i32
      %swap3A_684 = arith.index_cast %swap3A_683 : i32 to index
      %swap3A_685 = arith.constant 16 : index
      %swap3A_686 = tpu.vector_load %arg5[%swap3A_684, %swap3A_685] {strides = array<i32>} : memref<8x64xf32, #tpu.memory_space<vmem>>, vector<16xf32>,
      tpu.vector_store %arg5[%swap3A_684, %swap3A_685], %mul3A_682 {strides = array<i32>} : memref<8x64xf32, #tpu.memory_space<vmem>>, vector<16xf32>,
      %iota3A_687 = tpu.iota {dimensions = array<i32: 0>} : vector<16xi32>
      %add3A_688 = arith.constant 32 : i32
      %add3A_689 = vector.broadcast %add3A_688 : i32 to vector<16xi32>
      %add3A_690 = arith.addi %iota3A_687, %add3A_689 : vector<16xi32>
      %gather3A_691 = arith.constant 3 : i32
      %gather3A_692 = arith.constant 0 : i32
      %gather3A_693 = arith.constant 0 : i32
      %gather3A_694 = tpu.memref_slice %arg4[%gather3A_691, %gather3A_692, %gather3A_693] : memref<8x64x128xf32, #tpu.memory_space<vmem>> -> memref<1x64x128xf32, #tpu.memory_space<vmem>>
      %gather3A_695 = tpu.memref_squeeze %gather3A_694 : memref<1x64x128xf32, #tpu.memory_space<vmem>> -> memref<64x128xf32, #tpu.memory_space<vmem>>
      %gather3A_696 = tpu.vector_load_idx %gather3A_695[%add3A_690, %broadcast_in_dim3A_652] : memref<64x128xf32, #tpu.memory_space<vmem>>[vector<16xi32>, vector<16xi32>], vector<16xf32>,
      %mul3A_697 = arith.constant 2.000000e+00 : f32
      %mul3A_698 = vector.broadcast %mul3A_697 : f32 to vector<16xf32>
      %mul3A_699 = arith.mulf %gather3A_696, %mul3A_698 : vector<16xf32>
      %swap3A_700 = arith.constant 3 : i32
      %swap3A_701 = arith.index_cast %swap3A_700 : i32 to index
      %swap3A_702 = arith.constant 32 : index
      %swap3A_703 = tpu.vector_load %arg5[%swap3A_701, %swap3A_702] {strides = array<i32>} : memref<8x64xf32, #tpu.memory_space<vmem>>, vector<16xf32>,
      tpu.vector_store %arg5[%swap3A_701, %swap3A_702], %mul3A_699 {strides = array<i32>} : memref<8x64xf32, #tpu.memory_space<vmem>>, vector<16xf32>,
      %iota3A_704 = tpu.iota {dimensions = array<i32: 0>} : vector<16xi32>
      %add3A_705 = arith.constant 48 : i32
      %add3A_706 = vector.broadcast %add3A_705 : i32 to vector<16xi32>
      %add3A_707 = arith.addi %iota3A_704, %add3A_706 : vector<16xi32>
      %gather3A_708 = arith.constant 3 : i32
      %gather3A_709 = arith.constant 0 : i32
      %gather3A_710 = arith.constant 0 : i32
      %gather3A_711 = tpu.memref_slice %arg4[%gather3A_708, %gather3A_709, %gather3A_710] : memref<8x64x128xf32, #tpu.memory_space<vmem>> -> memref<1x64x128xf32, #tpu.memory_space<vmem>>
      %gather3A_712 = tpu.memref_squeeze %gather3A_711 : memref<1x64x128xf32, #tpu.memory_space<vmem>> -> memref<64x128xf32, #tpu.memory_space<vmem>>
      %gather3A_713 = tpu.vector_load_idx %gather3A_712[%add3A_707, %broadcast_in_dim3A_652] : memref<64x128xf32, #tpu.memory_space<vmem>>[vector<16xi32>, vector<16xi32>], vector<16xf32>,
      %mul3A_714 = arith.constant 2.000000e+00 : f32
      %mul3A_715 = vector.broadcast %mul3A_714 : f32 to vector<16xf32>
      %mul3A_716 = arith.mulf %gather3A_713, %mul3A_715 : vector<16xf32>
      %swap3A_717 = arith.constant 3 : i32
      %swap3A_718 = arith.index_cast %swap3A_717 : i32 to index
      %swap3A_719 = arith.constant 48 : index
      %swap3A_720 = tpu.vector_load %arg5[%swap3A_718, %swap3A_719] {strides = array<i32>} : memref<8x64xf32, #tpu.memory_space<vmem>>, vector<16xf32>,
      tpu.vector_store %arg5[%swap3A_718, %swap3A_719], %mul3A_716 {strides = array<i32>} : memref<8x64xf32, #tpu.memory_space<vmem>>, vector<16xf32>,
      %add3A_721 = arith.constant 62500 : i32
      %add3A_722 = arith.addi %add3A_3, %add3A_721 : i32
      %rem3A_723 = arith.constant 128 : i32
      %rem3A_724 = arith.remsi %add3A_722, %rem3A_723 : i32
      %broadcast_in_dim3A_725 = vector.broadcast %rem3A_724 : i32 to vector<16xi32>
      %iota3A_726 = tpu.iota {dimensions = array<i32: 0>} : vector<16xi32>
      %add3A_727 = arith.constant 0 : i32
      %add3A_728 = vector.broadcast %add3A_727 : i32 to vector<16xi32>
      %add3A_729 = arith.addi %iota3A_726, %add3A_728 : vector<16xi32>
      %gather3A_730 = arith.constant 4 : i32
      %gather3A_731 = arith.constant 0 : i32
      %gather3A_732 = arith.constant 0 : i32
      %gather3A_733 = tpu.memref_slice %arg4[%gather3A_730, %gather3A_731, %gather3A_732] : memref<8x64x128xf32, #tpu.memory_space<vmem>> -> memref<1x64x128xf32, #tpu.memory_space<vmem>>
      %gather3A_734 = tpu.memref_squeeze %gather3A_733 : memref<1x64x128xf32, #tpu.memory_space<vmem>> -> memref<64x128xf32, #tpu.memory_space<vmem>>
      %gather3A_735 = tpu.vector_load_idx %gather3A_734[%add3A_729, %broadcast_in_dim3A_725] : memref<64x128xf32, #tpu.memory_space<vmem>>[vector<16xi32>, vector<16xi32>], vector<16xf32>,
      %mul3A_736 = arith.constant 2.000000e+00 : f32
      %mul3A_737 = vector.broadcast %mul3A_736 : f32 to vector<16xf32>
      %mul3A_738 = arith.mulf %gather3A_735, %mul3A_737 : vector<16xf32>
      %swap3A_739 = arith.constant 4 : i32
      %swap3A_740 = arith.index_cast %swap3A_739 : i32 to index
      %swap3A_741 = arith.constant 0 : index
      %swap3A_742 = tpu.vector_load %arg5[%swap3A_740, %swap3A_741] {strides = array<i32>} : memref<8x64xf32, #tpu.memory_space<vmem>>, vector<16xf32>,
      tpu.vector_store %arg5[%swap3A_740, %swap3A_741], %mul3A_738 {strides = array<i32>} : memref<8x64xf32, #tpu.memory_space<vmem>>, vector<16xf32>,
      %iota3A_743 = tpu.iota {dimensions = array<i32: 0>} : vector<16xi32>
      %add3A_744 = arith.constant 16 : i32
      %add3A_745 = vector.broadcast %add3A_744 : i32 to vector<16xi32>
      %add3A_746 = arith.addi %iota3A_743, %add3A_745 : vector<16xi32>
      %gather3A_747 = arith.constant 4 : i32
      %gather3A_748 = arith.constant 0 : i32
      %gather3A_749 = arith.constant 0 : i32
      %gather3A_750 = tpu.memref_slice %arg4[%gather3A_747, %gather3A_748, %gather3A_749] : memref<8x64x128xf32, #tpu.memory_space<vmem>> -> memref<1x64x128xf32, #tpu.memory_space<vmem>>
      %gather3A_751 = tpu.memref_squeeze %gather3A_750 : memref<1x64x128xf32, #tpu.memory_space<vmem>> -> memref<64x128xf32, #tpu.memory_space<vmem>>
      %gather3A_752 = tpu.vector_load_idx %gather3A_751[%add3A_746, %broadcast_in_dim3A_725] : memref<64x128xf32, #tpu.memory_space<vmem>>[vector<16xi32>, vector<16xi32>], vector<16xf32>,
      %mul3A_753 = arith.constant 2.000000e+00 : f32
      %mul3A_754 = vector.broadcast %mul3A_753 : f32 to vector<16xf32>
      %mul3A_755 = arith.mulf %gather3A_752, %mul3A_754 : vector<16xf32>
      %swap3A_756 = arith.constant 4 : i32
      %swap3A_757 = arith.index_cast %swap3A_756 : i32 to index
      %swap3A_758 = arith.constant 16 : index
      %swap3A_759 = tpu.vector_load %arg5[%swap3A_757, %swap3A_758] {strides = array<i32>} : memref<8x64xf32, #tpu.memory_space<vmem>>, vector<16xf32>,
      tpu.vector_store %arg5[%swap3A_757, %swap3A_758], %mul3A_755 {strides = array<i32>} : memref<8x64xf32, #tpu.memory_space<vmem>>, vector<16xf32>,
      %iota3A_760 = tpu.iota {dimensions = array<i32: 0>} : vector<16xi32>
      %add3A_761 = arith.constant 32 : i32
      %add3A_762 = vector.broadcast %add3A_761 : i32 to vector<16xi32>
      %add3A_763 = arith.addi %iota3A_760, %add3A_762 : vector<16xi32>
      %gather3A_764 = arith.constant 4 : i32
      %gather3A_765 = arith.constant 0 : i32
      %gather3A_766 = arith.constant 0 : i32
      %gather3A_767 = tpu.memref_slice %arg4[%gather3A_764, %gather3A_765, %gather3A_766] : memref<8x64x128xf32, #tpu.memory_space<vmem>> -> memref<1x64x128xf32, #tpu.memory_space<vmem>>
      %gather3A_768 = tpu.memref_squeeze %gather3A_767 : memref<1x64x128xf32, #tpu.memory_space<vmem>> -> memref<64x128xf32, #tpu.memory_space<vmem>>
      %gather3A_769 = tpu.vector_load_idx %gather3A_768[%add3A_763, %broadcast_in_dim3A_725] : memref<64x128xf32, #tpu.memory_space<vmem>>[vector<16xi32>, vector<16xi32>], vector<16xf32>,
      %mul3A_770 = arith.constant 2.000000e+00 : f32
      %mul3A_771 = vector.broadcast %mul3A_770 : f32 to vector<16xf32>
      %mul3A_772 = arith.mulf %gather3A_769, %mul3A_771 : vector<16xf32>
      %swap3A_773 = arith.constant 4 : i32
      %swap3A_774 = arith.index_cast %swap3A_773 : i32 to index
      %swap3A_775 = arith.constant 32 : index
      %swap3A_776 = tpu.vector_load %arg5[%swap3A_774, %swap3A_775] {strides = array<i32>} : memref<8x64xf32, #tpu.memory_space<vmem>>, vector<16xf32>,
      tpu.vector_store %arg5[%swap3A_774, %swap3A_775], %mul3A_772 {strides = array<i32>} : memref<8x64xf32, #tpu.memory_space<vmem>>, vector<16xf32>,
      %iota3A_777 = tpu.iota {dimensions = array<i32: 0>} : vector<16xi32>
      %add3A_778 = arith.constant 48 : i32
      %add3A_779 = vector.broadcast %add3A_778 : i32 to vector<16xi32>
      %add3A_780 = arith.addi %iota3A_777, %add3A_779 : vector<16xi32>
      %gather3A_781 = arith.constant 4 : i32
      %gather3A_782 = arith.constant 0 : i32
      %gather3A_783 = arith.constant 0 : i32
      %gather3A_784 = tpu.memref_slice %arg4[%gather3A_781, %gather3A_782, %gather3A_783] : memref<8x64x128xf32, #tpu.memory_space<vmem>> -> memref<1x64x128xf32, #tpu.memory_space<vmem>>
      %gather3A_785 = tpu.memref_squeeze %gather3A_784 : memref<1x64x128xf32, #tpu.memory_space<vmem>> -> memref<64x128xf32, #tpu.memory_space<vmem>>
      %gather3A_786 = tpu.vector_load_idx %gather3A_785[%add3A_780, %broadcast_in_dim3A_725] : memref<64x128xf32, #tpu.memory_space<vmem>>[vector<16xi32>, vector<16xi32>], vector<16xf32>,
      %mul3A_787 = arith.constant 2.000000e+00 : f32
      %mul3A_788 = vector.broadcast %mul3A_787 : f32 to vector<16xf32>
      %mul3A_789 = arith.mulf %gather3A_786, %mul3A_788 : vector<16xf32>
      %swap3A_790 = arith.constant 4 : i32
      %swap3A_791 = arith.index_cast %swap3A_790 : i32 to index
      %swap3A_792 = arith.constant 48 : index
      %swap3A_793 = tpu.vector_load %arg5[%swap3A_791, %swap3A_792] {strides = array<i32>} : memref<8x64xf32, #tpu.memory_space<vmem>>, vector<16xf32>,
      tpu.vector_store %arg5[%swap3A_791, %swap3A_792], %mul3A_789 {strides = array<i32>} : memref<8x64xf32, #tpu.memory_space<vmem>>, vector<16xf32>,
      %add3A_794 = arith.constant 78125 : i32
      %add3A_795 = arith.addi %add3A_3, %add3A_794 : i32
      %rem3A_796 = arith.constant 128 : i32
      %rem3A_797 = arith.remsi %add3A_795, %rem3A_796 : i32
      %broadcast_in_dim3A_798 = vector.broadcast %rem3A_797 : i32 to vector<16xi32>
      %iota3A_799 = tpu.iota {dimensions = array<i32: 0>} : vector<16xi32>
      %add3A_800 = arith.constant 0 : i32
      %add3A_801 = vector.broadcast %add3A_800 : i32 to vector<16xi32>
      %add3A_802 = arith.addi %iota3A_799, %add3A_801 : vector<16xi32>
      %gather3A_803 = arith.constant 5 : i32
      %gather3A_804 = arith.constant 0 : i32
      %gather3A_805 = arith.constant 0 : i32
      %gather3A_806 = tpu.memref_slice %arg4[%gather3A_803, %gather3A_804, %gather3A_805] : memref<8x64x128xf32, #tpu.memory_space<vmem>> -> memref<1x64x128xf32, #tpu.memory_space<vmem>>
      %gather3A_807 = tpu.memref_squeeze %gather3A_806 : memref<1x64x128xf32, #tpu.memory_space<vmem>> -> memref<64x128xf32, #tpu.memory_space<vmem>>
      %gather3A_808 = tpu.vector_load_idx %gather3A_807[%add3A_802, %broadcast_in_dim3A_798] : memref<64x128xf32, #tpu.memory_space<vmem>>[vector<16xi32>, vector<16xi32>], vector<16xf32>,
      %mul3A_809 = arith.constant 2.000000e+00 : f32
      %mul3A_810 = vector.broadcast %mul3A_809 : f32 to vector<16xf32>
      %mul3A_811 = arith.mulf %gather3A_808, %mul3A_810 : vector<16xf32>
      %swap3A_812 = arith.constant 5 : i32
      %swap3A_813 = arith.index_cast %swap3A_812 : i32 to index
      %swap3A_814 = arith.constant 0 : index
      %swap3A_815 = tpu.vector_load %arg5[%swap3A_813, %swap3A_814] {strides = array<i32>} : memref<8x64xf32, #tpu.memory_space<vmem>>, vector<16xf32>,
      tpu.vector_store %arg5[%swap3A_813, %swap3A_814], %mul3A_811 {strides = array<i32>} : memref<8x64xf32, #tpu.memory_space<vmem>>, vector<16xf32>,
      %iota3A_816 = tpu.iota {dimensions = array<i32: 0>} : vector<16xi32>
      %add3A_817 = arith.constant 16 : i32
      %add3A_818 = vector.broadcast %add3A_817 : i32 to vector<16xi32>
      %add3A_819 = arith.addi %iota3A_816, %add3A_818 : vector<16xi32>
      %gather3A_820 = arith.constant 5 : i32
      %gather3A_821 = arith.constant 0 : i32
      %gather3A_822 = arith.constant 0 : i32
      %gather3A_823 = tpu.memref_slice %arg4[%gather3A_820, %gather3A_821, %gather3A_822] : memref<8x64x128xf32, #tpu.memory_space<vmem>> -> memref<1x64x128xf32, #tpu.memory_space<vmem>>
      %gather3A_824 = tpu.memref_squeeze %gather3A_823 : memref<1x64x128xf32, #tpu.memory_space<vmem>> -> memref<64x128xf32, #tpu.memory_space<vmem>>
      %gather3A_825 = tpu.vector_load_idx %gather3A_824[%add3A_819, %broadcast_in_dim3A_798] : memref<64x128xf32, #tpu.memory_space<vmem>>[vector<16xi32>, vector<16xi32>], vector<16xf32>,
      %mul3A_826 = arith.constant 2.000000e+00 : f32
      %mul3A_827 = vector.broadcast %mul3A_826 : f32 to vector<16xf32>
      %mul3A_828 = arith.mulf %gather3A_825, %mul3A_827 : vector<16xf32>
      %swap3A_829 = arith.constant 5 : i32
      %swap3A_830 = arith.index_cast %swap3A_829 : i32 to index
      %swap3A_831 = arith.constant 16 : index
      %swap3A_832 = tpu.vector_load %arg5[%swap3A_830, %swap3A_831] {strides = array<i32>} : memref<8x64xf32, #tpu.memory_space<vmem>>, vector<16xf32>,
      tpu.vector_store %arg5[%swap3A_830, %swap3A_831], %mul3A_828 {strides = array<i32>} : memref<8x64xf32, #tpu.memory_space<vmem>>, vector<16xf32>,
      %iota3A_833 = tpu.iota {dimensions = array<i32: 0>} : vector<16xi32>
      %add3A_834 = arith.constant 32 : i32
      %add3A_835 = vector.broadcast %add3A_834 : i32 to vector<16xi32>
      %add3A_836 = arith.addi %iota3A_833, %add3A_835 : vector<16xi32>
      %gather3A_837 = arith.constant 5 : i32
      %gather3A_838 = arith.constant 0 : i32
      %gather3A_839 = arith.constant 0 : i32
      %gather3A_840 = tpu.memref_slice %arg4[%gather3A_837, %gather3A_838, %gather3A_839] : memref<8x64x128xf32, #tpu.memory_space<vmem>> -> memref<1x64x128xf32, #tpu.memory_space<vmem>>
      %gather3A_841 = tpu.memref_squeeze %gather3A_840 : memref<1x64x128xf32, #tpu.memory_space<vmem>> -> memref<64x128xf32, #tpu.memory_space<vmem>>
      %gather3A_842 = tpu.vector_load_idx %gather3A_841[%add3A_836, %broadcast_in_dim3A_798] : memref<64x128xf32, #tpu.memory_space<vmem>>[vector<16xi32>, vector<16xi32>], vector<16xf32>,
      %mul3A_843 = arith.constant 2.000000e+00 : f32
      %mul3A_844 = vector.broadcast %mul3A_843 : f32 to vector<16xf32>
      %mul3A_845 = arith.mulf %gather3A_842, %mul3A_844 : vector<16xf32>
      %swap3A_846 = arith.constant 5 : i32
      %swap3A_847 = arith.index_cast %swap3A_846 : i32 to index
      %swap3A_848 = arith.constant 32 : index
      %swap3A_849 = tpu.vector_load %arg5[%swap3A_847, %swap3A_848] {strides = array<i32>} : memref<8x64xf32, #tpu.memory_space<vmem>>, vector<16xf32>,
      tpu.vector_store %arg5[%swap3A_847, %swap3A_848], %mul3A_845 {strides = array<i32>} : memref<8x64xf32, #tpu.memory_space<vmem>>, vector<16xf32>,
      %iota3A_850 = tpu.iota {dimensions = array<i32: 0>} : vector<16xi32>
      %add3A_851 = arith.constant 48 : i32
      %add3A_852 = vector.broadcast %add3A_851 : i32 to vector<16xi32>
      %add3A_853 = arith.addi %iota3A_850, %add3A_852 : vector<16xi32>
      %gather3A_854 = arith.constant 5 : i32
      %gather3A_855 = arith.constant 0 : i32
      %gather3A_856 = arith.constant 0 : i32
      %gather3A_857 = tpu.memref_slice %arg4[%gather3A_854, %gather3A_855, %gather3A_856] : memref<8x64x128xf32, #tpu.memory_space<vmem>> -> memref<1x64x128xf32, #tpu.memory_space<vmem>>
      %gather3A_858 = tpu.memref_squeeze %gather3A_857 : memref<1x64x128xf32, #tpu.memory_space<vmem>> -> memref<64x128xf32, #tpu.memory_space<vmem>>
      %gather3A_859 = tpu.vector_load_idx %gather3A_858[%add3A_853, %broadcast_in_dim3A_798] : memref<64x128xf32, #tpu.memory_space<vmem>>[vector<16xi32>, vector<16xi32>], vector<16xf32>,
      %mul3A_860 = arith.constant 2.000000e+00 : f32
      %mul3A_861 = vector.broadcast %mul3A_860 : f32 to vector<16xf32>
      %mul3A_862 = arith.mulf %gather3A_859, %mul3A_861 : vector<16xf32>
      %swap3A_863 = arith.constant 5 : i32
      %swap3A_864 = arith.index_cast %swap3A_863 : i32 to index
      %swap3A_865 = arith.constant 48 : index
      %swap3A_866 = tpu.vector_load %arg5[%swap3A_864, %swap3A_865] {strides = array<i32>} : memref<8x64xf32, #tpu.memory_space<vmem>>, vector<16xf32>,
      tpu.vector_store %arg5[%swap3A_864, %swap3A_865], %mul3A_862 {strides = array<i32>} : memref<8x64xf32, #tpu.memory_space<vmem>>, vector<16xf32>,
      %add3A_867 = arith.constant 93750 : i32
      %add3A_868 = arith.addi %add3A_3, %add3A_867 : i32
      %rem3A_869 = arith.constant 128 : i32
      %rem3A_870 = arith.remsi %add3A_868, %rem3A_869 : i32
      %broadcast_in_dim3A_871 = vector.broadcast %rem3A_870 : i32 to vector<16xi32>
      %iota3A_872 = tpu.iota {dimensions = array<i32: 0>} : vector<16xi32>
      %add3A_873 = arith.constant 0 : i32
      %add3A_874 = vector.broadcast %add3A_873 : i32 to vector<16xi32>
      %add3A_875 = arith.addi %iota3A_872, %add3A_874 : vector<16xi32>
      %gather3A_876 = arith.constant 6 : i32
      %gather3A_877 = arith.constant 0 : i32
      %gather3A_878 = arith.constant 0 : i32
      %gather3A_879 = tpu.memref_slice %arg4[%gather3A_876, %gather3A_877, %gather3A_878] : memref<8x64x128xf32, #tpu.memory_space<vmem>> -> memref<1x64x128xf32, #tpu.memory_space<vmem>>
      %gather3A_880 = tpu.memref_squeeze %gather3A_879 : memref<1x64x128xf32, #tpu.memory_space<vmem>> -> memref<64x128xf32, #tpu.memory_space<vmem>>
      %gather3A_881 = tpu.vector_load_idx %gather3A_880[%add3A_875, %broadcast_in_dim3A_871] : memref<64x128xf32, #tpu.memory_space<vmem>>[vector<16xi32>, vector<16xi32>], vector<16xf32>,
      %mul3A_882 = arith.constant 2.000000e+00 : f32
      %mul3A_883 = vector.broadcast %mul3A_882 : f32 to vector<16xf32>
      %mul3A_884 = arith.mulf %gather3A_881, %mul3A_883 : vector<16xf32>
      %swap3A_885 = arith.constant 6 : i32
      %swap3A_886 = arith.index_cast %swap3A_885 : i32 to index
      %swap3A_887 = arith.constant 0 : index
      %swap3A_888 = tpu.vector_load %arg5[%swap3A_886, %swap3A_887] {strides = array<i32>} : memref<8x64xf32, #tpu.memory_space<vmem>>, vector<16xf32>,
      tpu.vector_store %arg5[%swap3A_886, %swap3A_887], %mul3A_884 {strides = array<i32>} : memref<8x64xf32, #tpu.memory_space<vmem>>, vector<16xf32>,
      %iota3A_889 = tpu.iota {dimensions = array<i32: 0>} : vector<16xi32>
      %add3A_890 = arith.constant 16 : i32
      %add3A_891 = vector.broadcast %add3A_890 : i32 to vector<16xi32>
      %add3A_892 = arith.addi %iota3A_889, %add3A_891 : vector<16xi32>
      %gather3A_893 = arith.constant 6 : i32
      %gather3A_894 = arith.constant 0 : i32
      %gather3A_895 = arith.constant 0 : i32
      %gather3A_896 = tpu.memref_slice %arg4[%gather3A_893, %gather3A_894, %gather3A_895] : memref<8x64x128xf32, #tpu.memory_space<vmem>> -> memref<1x64x128xf32, #tpu.memory_space<vmem>>
      %gather3A_897 = tpu.memref_squeeze %gather3A_896 : memref<1x64x128xf32, #tpu.memory_space<vmem>> -> memref<64x128xf32, #tpu.memory_space<vmem>>
      %gather3A_898 = tpu.vector_load_idx %gather3A_897[%add3A_892, %broadcast_in_dim3A_871] : memref<64x128xf32, #tpu.memory_space<vmem>>[vector<16xi32>, vector<16xi32>], vector<16xf32>,
      %mul3A_899 = arith.constant 2.000000e+00 : f32
      %mul3A_900 = vector.broadcast %mul3A_899 : f32 to vector<16xf32>
      %mul3A_901 = arith.mulf %gather3A_898, %mul3A_900 : vector<16xf32>
      %swap3A_902 = arith.constant 6 : i32
      %swap3A_903 = arith.index_cast %swap3A_902 : i32 to index
      %swap3A_904 = arith.constant 16 : index
      %swap3A_905 = tpu.vector_load %arg5[%swap3A_903, %swap3A_904] {strides = array<i32>} : memref<8x64xf32, #tpu.memory_space<vmem>>, vector<16xf32>,
      tpu.vector_store %arg5[%swap3A_903, %swap3A_904], %mul3A_901 {strides = array<i32>} : memref<8x64xf32, #tpu.memory_space<vmem>>, vector<16xf32>,
      %iota3A_906 = tpu.iota {dimensions = array<i32: 0>} : vector<16xi32>
      %add3A_907 = arith.constant 32 : i32
      %add3A_908 = vector.broadcast %add3A_907 : i32 to vector<16xi32>
      %add3A_909 = arith.addi %iota3A_906, %add3A_908 : vector<16xi32>
      %gather3A_910 = arith.constant 6 : i32
      %gather3A_911 = arith.constant 0 : i32
      %gather3A_912 = arith.constant 0 : i32
      %gather3A_913 = tpu.memref_slice %arg4[%gather3A_910, %gather3A_911, %gather3A_912] : memref<8x64x128xf32, #tpu.memory_space<vmem>> -> memref<1x64x128xf32, #tpu.memory_space<vmem>>
      %gather3A_914 = tpu.memref_squeeze %gather3A_913 : memref<1x64x128xf32, #tpu.memory_space<vmem>> -> memref<64x128xf32, #tpu.memory_space<vmem>>
      %gather3A_915 = tpu.vector_load_idx %gather3A_914[%add3A_909, %broadcast_in_dim3A_871] : memref<64x128xf32, #tpu.memory_space<vmem>>[vector<16xi32>, vector<16xi32>], vector<16xf32>,
      %mul3A_916 = arith.constant 2.000000e+00 : f32
      %mul3A_917 = vector.broadcast %mul3A_916 : f32 to vector<16xf32>
      %mul3A_918 = arith.mulf %gather3A_915, %mul3A_917 : vector<16xf32>
      %swap3A_919 = arith.constant 6 : i32
      %swap3A_920 = arith.index_cast %swap3A_919 : i32 to index
      %swap3A_921 = arith.constant 32 : index
      %swap3A_922 = tpu.vector_load %arg5[%swap3A_920, %swap3A_921] {strides = array<i32>} : memref<8x64xf32, #tpu.memory_space<vmem>>, vector<16xf32>,
      tpu.vector_store %arg5[%swap3A_920, %swap3A_921], %mul3A_918 {strides = array<i32>} : memref<8x64xf32, #tpu.memory_space<vmem>>, vector<16xf32>,
      %iota3A_923 = tpu.iota {dimensions = array<i32: 0>} : vector<16xi32>
      %add3A_924 = arith.constant 48 : i32
      %add3A_925 = vector.broadcast %add3A_924 : i32 to vector<16xi32>
      %add3A_926 = arith.addi %iota3A_923, %add3A_925 : vector<16xi32>
      %gather3A_927 = arith.constant 6 : i32
      %gather3A_928 = arith.constant 0 : i32
      %gather3A_929 = arith.constant 0 : i32
      %gather3A_930 = tpu.memref_slice %arg4[%gather3A_927, %gather3A_928, %gather3A_929] : memref<8x64x128xf32, #tpu.memory_space<vmem>> -> memref<1x64x128xf32, #tpu.memory_space<vmem>>
      %gather3A_931 = tpu.memref_squeeze %gather3A_930 : memref<1x64x128xf32, #tpu.memory_space<vmem>> -> memref<64x128xf32, #tpu.memory_space<vmem>>
      %gather3A_932 = tpu.vector_load_idx %gather3A_931[%add3A_926, %broadcast_in_dim3A_871] : memref<64x128xf32, #tpu.memory_space<vmem>>[vector<16xi32>, vector<16xi32>], vector<16xf32>,
      %mul3A_933 = arith.constant 2.000000e+00 : f32
      %mul3A_934 = vector.broadcast %mul3A_933 : f32 to vector<16xf32>
      %mul3A_935 = arith.mulf %gather3A_932, %mul3A_934 : vector<16xf32>
      %swap3A_936 = arith.constant 6 : i32
      %swap3A_937 = arith.index_cast %swap3A_936 : i32 to index
      %swap3A_938 = arith.constant 48 : index
      %swap3A_939 = tpu.vector_load %arg5[%swap3A_937, %swap3A_938] {strides = array<i32>} : memref<8x64xf32, #tpu.memory_space<vmem>>, vector<16xf32>,
      tpu.vector_store %arg5[%swap3A_937, %swap3A_938], %mul3A_935 {strides = array<i32>} : memref<8x64xf32, #tpu.memory_space<vmem>>, vector<16xf32>,
      %add3A_940 = arith.constant 109375 : i32
      %add3A_941 = arith.addi %add3A_3, %add3A_940 : i32
      %rem3A_942 = arith.constant 128 : i32
      %rem3A_943 = arith.remsi %add3A_941, %rem3A_942 : i32
      %broadcast_in_dim3A_944 = vector.broadcast %rem3A_943 : i32 to vector<16xi32>
      %iota3A_945 = tpu.iota {dimensions = array<i32: 0>} : vector<16xi32>
      %add3A_946 = arith.constant 0 : i32
      %add3A_947 = vector.broadcast %add3A_946 : i32 to vector<16xi32>
      %add3A_948 = arith.addi %iota3A_945, %add3A_947 : vector<16xi32>
      %gather3A_949 = arith.constant 7 : i32
      %gather3A_950 = arith.constant 0 : i32
      %gather3A_951 = arith.constant 0 : i32
      %gather3A_952 = tpu.memref_slice %arg4[%gather3A_949, %gather3A_950, %gather3A_951] : memref<8x64x128xf32, #tpu.memory_space<vmem>> -> memref<1x64x128xf32, #tpu.memory_space<vmem>>
      %gather3A_953 = tpu.memref_squeeze %gather3A_952 : memref<1x64x128xf32, #tpu.memory_space<vmem>> -> memref<64x128xf32, #tpu.memory_space<vmem>>
      %gather3A_954 = tpu.vector_load_idx %gather3A_953[%add3A_948, %broadcast_in_dim3A_944] : memref<64x128xf32, #tpu.memory_space<vmem>>[vector<16xi32>, vector<16xi32>], vector<16xf32>,
      %mul3A_955 = arith.constant 2.000000e+00 : f32
      %mul3A_956 = vector.broadcast %mul3A_955 : f32 to vector<16xf32>
      %mul3A_957 = arith.mulf %gather3A_954, %mul3A_956 : vector<16xf32>
      %swap3A_958 = arith.constant 7 : i32
      %swap3A_959 = arith.index_cast %swap3A_958 : i32 to index
      %swap3A_960 = arith.constant 0 : index
      %swap3A_961 = tpu.vector_load %arg5[%swap3A_959, %swap3A_960] {strides = array<i32>} : memref<8x64xf32, #tpu.memory_space<vmem>>, vector<16xf32>,
      tpu.vector_store %arg5[%swap3A_959, %swap3A_960], %mul3A_957 {strides = array<i32>} : memref<8x64xf32, #tpu.memory_space<vmem>>, vector<16xf32>,
      %iota3A_962 = tpu.iota {dimensions = array<i32: 0>} : vector<16xi32>
      %add3A_963 = arith.constant 16 : i32
      %add3A_964 = vector.broadcast %add3A_963 : i32 to vector<16xi32>
      %add3A_965 = arith.addi %iota3A_962, %add3A_964 : vector<16xi32>
      %gather3A_966 = arith.constant 7 : i32
      %gather3A_967 = arith.constant 0 : i32
      %gather3A_968 = arith.constant 0 : i32
      %gather3A_969 = tpu.memref_slice %arg4[%gather3A_966, %gather3A_967, %gather3A_968] : memref<8x64x128xf32, #tpu.memory_space<vmem>> -> memref<1x64x128xf32, #tpu.memory_space<vmem>>
      %gather3A_970 = tpu.memref_squeeze %gather3A_969 : memref<1x64x128xf32, #tpu.memory_space<vmem>> -> memref<64x128xf32, #tpu.memory_space<vmem>>
      %gather3A_971 = tpu.vector_load_idx %gather3A_970[%add3A_965, %broadcast_in_dim3A_944] : memref<64x128xf32, #tpu.memory_space<vmem>>[vector<16xi32>, vector<16xi32>], vector<16xf32>,
      %mul3A_972 = arith.constant 2.000000e+00 : f32
      %mul3A_973 = vector.broadcast %mul3A_972 : f32 to vector<16xf32>
      %mul3A_974 = arith.mulf %gather3A_971, %mul3A_973 : vector<16xf32>
      %swap3A_975 = arith.constant 7 : i32
      %swap3A_976 = arith.index_cast %swap3A_975 : i32 to index
      %swap3A_977 = arith.constant 16 : index
      %swap3A_978 = tpu.vector_load %arg5[%swap3A_976, %swap3A_977] {strides = array<i32>} : memref<8x64xf32, #tpu.memory_space<vmem>>, vector<16xf32>,
      tpu.vector_store %arg5[%swap3A_976, %swap3A_977], %mul3A_974 {strides = array<i32>} : memref<8x64xf32, #tpu.memory_space<vmem>>, vector<16xf32>,
      %iota3A_979 = tpu.iota {dimensions = array<i32: 0>} : vector<16xi32>
      %add3A_980 = arith.constant 32 : i32
      %add3A_981 = vector.broadcast %add3A_980 : i32 to vector<16xi32>
      %add3A_982 = arith.addi %iota3A_979, %add3A_981 : vector<16xi32>
      %gather3A_983 = arith.constant 7 : i32
      %gather3A_984 = arith.constant 0 : i32
      %gather3A_985 = arith.constant 0 : i32
      %gather3A_986 = tpu.memref_slice %arg4[%gather3A_983, %gather3A_984, %gather3A_985] : memref<8x64x128xf32, #tpu.memory_space<vmem>> -> memref<1x64x128xf32, #tpu.memory_space<vmem>>
      %gather3A_987 = tpu.memref_squeeze %gather3A_986 : memref<1x64x128xf32, #tpu.memory_space<vmem>> -> memref<64x128xf32, #tpu.memory_space<vmem>>
      %gather3A_988 = tpu.vector_load_idx %gather3A_987[%add3A_982, %broadcast_in_dim3A_944] : memref<64x128xf32, #tpu.memory_space<vmem>>[vector<16xi32>, vector<16xi32>], vector<16xf32>,
      %mul3A_989 = arith.constant 2.000000e+00 : f32
      %mul3A_990 = vector.broadcast %mul3A_989 : f32 to vector<16xf32>
      %mul3A_991 = arith.mulf %gather3A_988, %mul3A_990 : vector<16xf32>
      %swap3A_992 = arith.constant 7 : i32
      %swap3A_993 = arith.index_cast %swap3A_992 : i32 to index
      %swap3A_994 = arith.constant 32 : index
      %swap3A_995 = tpu.vector_load %arg5[%swap3A_993, %swap3A_994] {strides = array<i32>} : memref<8x64xf32, #tpu.memory_space<vmem>>, vector<16xf32>,
      tpu.vector_store %arg5[%swap3A_993, %swap3A_994], %mul3A_991 {strides = array<i32>} : memref<8x64xf32, #tpu.memory_space<vmem>>, vector<16xf32>,
      %iota3A_996 = tpu.iota {dimensions = array<i32: 0>} : vector<16xi32>
      %add3A_997 = arith.constant 48 : i32
      %add3A_998 = vector.broadcast %add3A_997 : i32 to vector<16xi32>
      %add3A_999 = arith.addi %iota3A_996, %add3A_998 : vector<16xi32>
      %gather3A_1000 = arith.constant 7 : i32
      %gather3A_1001 = arith.constant 0 : i32
      %gather3A_1002 = arith.constant 0 : i32
      %gather3A_1003 = tpu.memref_slice %arg4[%gather3A_1000, %gather3A_1001, %gather3A_1002] : memref<8x64x128xf32, #tpu.memory_space<vmem>> -> memref<1x64x128xf32, #tpu.memory_space<vmem>>
      %gather3A_1004 = tpu.memref_squeeze %gather3A_1003 : memref<1x64x128xf32, #tpu.memory_space<vmem>> -> memref<64x128xf32, #tpu.memory_space<vmem>>
      %gather3A_1005 = tpu.vector_load_idx %gather3A_1004[%add3A_999, %broadcast_in_dim3A_944] : memref<64x128xf32, #tpu.memory_space<vmem>>[vector<16xi32>, vector<16xi32>], vector<16xf32>,
      %mul3A_1006 = arith.constant 2.000000e+00 : f32
      %mul3A_1007 = vector.broadcast %mul3A_1006 : f32 to vector<16xf32>
      %mul3A_1008 = arith.mulf %gather3A_1005, %mul3A_1007 : vector<16xf32>
      %swap3A_1009 = arith.constant 7 : i32
      %swap3A_1010 = arith.index_cast %swap3A_1009 : i32 to index
      %swap3A_1011 = arith.constant 48 : index
      %swap3A_1012 = tpu.vector_load %arg5[%swap3A_1010, %swap3A_1011] {strides = array<i32>} : memref<8x64xf32, #tpu.memory_space<vmem>>, vector<16xf32>,
      tpu.vector_store %arg5[%swap3A_1010, %swap3A_1011], %mul3A_1008 {strides = array<i32>} : memref<8x64xf32, #tpu.memory_space<vmem>>, vector<16xf32>,
      %mul3A_1013 = arith.constant 8 : i32
      %mul3A_1014 = arith.muli %arg1, %mul3A_1013 : i32
      "tpu.region"() ({
        %run_scoped3A = tpu.sem_alloc : memref<!tpu.dma_semaphore, #tpu.memory_space<semaphore_mem>>
        %dma_start3A_1015 = arith.constant 0 : i32
        %dma_start3A_1016 = tpu.memref_slice %arg3[%mul3A_1014, %dma_start3A_1015] : memref<64x64xf32, #tpu.memory_space<hbm>> -> memref<8x64xf32, #tpu.memory_space<hbm>>
        %dma_start3A_1017 = arith.constant 0 : i32
        %dma_start3A_1018 = tpu.memref_slice %arg3[%mul3A_1014, %dma_start3A_1017] : memref<64x64xf32, #tpu.memory_space<hbm>> -> memref<8x64xf32, #tpu.memory_space<hbm>>
        tpu.enqueue_dma source(%arg5 : memref<8x64xf32, #tpu.memory_space<vmem>>) target(%dma_start3A_1018 : memref<8x64xf32, #tpu.memory_space<hbm>>) target_semaphore(%run_scoped3A : memref<!tpu.dma_semaphore, #tpu.memory_space<semaphore_mem>>)
        %dma_wait3A_1019 = arith.constant 0 : i32
        %dma_wait3A_1020 = tpu.memref_slice %arg3[%mul3A_1014, %dma_wait3A_1019] : memref<64x64xf32, #tpu.memory_space<hbm>> -> memref<8x64xf32, #tpu.memory_space<hbm>>
        %dma_wait3A_1021 = arith.constant 0 : i32
        %dma_wait3A_1022 = tpu.memref_slice %arg3[%mul3A_1014, %dma_wait3A_1021] : memref<64x64xf32, #tpu.memory_space<hbm>> -> memref<8x64xf32, #tpu.memory_space<hbm>>
        tpu.wait_dma2 semaphore(%run_scoped3A : memref<!tpu.dma_semaphore, #tpu.memory_space<semaphore_mem>>) src(%arg5 : memref<8x64xf32, #tpu.memory_space<vmem>>) dst(%dma_wait3A_1022 : memref<8x64xf32, #tpu.memory_space<hbm>>)
        tpu.yield
      }) : () -> ()
    } else {
    }
    return
  }
}

</mosaic_0001>

<sc_bundles>
// kernel: kernel.3.cloned.1.call-start
scs
__scs_entry_jumppad:
0x0: {  	(pc) =	sbr.rel $0x88, $3  }
0x1: {  	(tag) =	ssettag $0x0;
	lr =	simm.s32 $0x1  }
0x2: {  	[smem:$0x3FA0] =	sst lr;
	_ =	strace $0xD0000000  }
0x3: {  	_ = 	snop  }
0x4: {  	_ = 	snop  }
0x5: {  	_ = 	snop  }
0x6: {  	_ = 	snop  }
0x7: {  	_ = 	snop  }
__scs_overlays_trampoline_lowered:
0x8: {  	[smem:$0x3FAF] =	sst s0  }
0x9: {  	[smem:$0x3FB0] =	sst s1  }
0xa: {  	[smem:$0x3FB1] =	sst s2  }
0xb: {  	[smem:$0x3FB2] =	sst s3  }
0xc: {  	[smem:$0x3FB3] =	sst s4  }
0xd: {  	[smem:$0x3FB4] =	sst s5  }
0xe: {  	[smem:$0x3FB5] =	sst s6  }
0xf: {  	[smem:$0x3FB6] =	sst s7  }
0x10: {  	[smem:$0x3FB7] =	sst s8  }
0x11: {  	[smem:$0x3FB8] =	sst s9;
	s0 =	simm.s32 @!p0 $0x0  }
0x12: {  	s1 =	sld [smem:$0x3F9E];
	s0 =	simm.s32 @p0 $0x1  }
0x13: {  	[smem:$0x3FB9] =	sst s0;
	s0 =	simm.s32 @!p1 $0x0  }
0x14: {  	s2 =	sld [smem:$0x3F9D];
	s0 =	simm.s32 @p1 $0x1  }
0x15: {  	[smem:$0x3FBA] =	sst s0;
	s0 =	simm.s32 @!p2 $0x0  }
0x16: {  	s3 =	sld [smem:$0x3FDB];
	s0 =	simm.s32 @p2 $0x1  }
0x17: {  	s4 =	simm.s32 $0x1BF5;
	[smem:$0x3FBC] =	sst s0  }
0x18: {  	s0 =	sld [smem:$0x3F9F];
	_ =	swait.ge [sflag:s4], $0x0  }
0x19: {  	s7 =	sld [smem:$0x3FA0]  }
0x1a: {  	s8 =	sadd.s32 $0xFFFFE003, lr  }
0x1b: {  	s9 =	sadd.s32 $0xFFFFFEF7, lr;
	s5 =	simm.s32 $0xFFFFFFFF;
	p2 =	slt.u32 s8, $0xFFFFF086  }
0x1c: {  	p1 =	slt.u32 s9, $0xF7A;
	s5 =	simm.s32 @!p2 $0x0  }
0x1d: {  	s5 =	simm.s32 @p1 $0x1;
	p0 =	seq.s32 s7, s2  }
0x1e: {  	s7 =	smul.u32 @!p0 $0xF7A, s2;
	p2 =	seq.s32 @!p0 s5, $0x0  }
0x1f: {  	s9 =	smul.u32 $0xF7A, s1;
	s8 =	simm.s32 @!p0 $0x1BF5;
	p2 =	por !p2, p0  }
0x20: {  	[sflag:s8] =	ssyncset.s32 @!p0 $0xFFFFF086;
	s6 =	sadd.s32 @!p0 s3, s7;
	s7 =	simm.s32 @!p0 $0x108  }
0x21: {  	s3 =	sadd.s32 s3, s9;
	s6 =	sadd.s32 @!p0 $0x88, s6;
	s7 =	simm.s32 @p2 $0x1082  }
0x22: {  	[simem:s7], [sflag:s8] =	dma.local @!p0 [hbm:s6], $0xF7A  }
0x23: {  	s9 =	sor.u32 $0xD0000000, s2;
	s6 =	simm.s32 $0x108;
	_ =	swait.ge @!p0 [sflag:s8], $0x0  }
0x24: {  	s3 =	sadd.s32 $0x88, s3;
	s6 =	simm.s32 @!p1 $0x1082;
	[sflag:s4] =	ssyncset.s32 $0xFFFFF086  }
0x25: {  	[simem:s6], [sflag:s4] =	dma.local [hbm:s3], $0xF7A  }
0x26: {  	[smem:$0x3FA0] =	sst s1;
	(tag) =	ssettag s2;
	_ =	strace s9  }
0x27: {  	s1 =	sld [smem:$0x3FB0]  }
0x28: {  	s2 =	sld [smem:$0x3FB1]  }
0x29: {  	s4 =	sld [smem:$0x3FB3]  }
0x2a: {  	p0 =	seq.s32 s5, $0x0;
	s5 =	sld [smem:$0x3FB4]  }
0x2b: {  	s6 =	sld [smem:$0x3FB5]  }
0x2c: {  	s7 =	sld [smem:$0x3FB6]  }
0x2d: {  	s3 =	simm.s32 $0x108;
	s8 =	sld [smem:$0x3FB7]  }
0x2e: {  	s3 =	simm.s32 @!p0 $0x1082;
	s9 =	sld [smem:$0x3FB8]  }
0x2f: {  	lr =	sadd.s32 s0, s3;
	s0 =	sld [smem:$0x3FAF]  }
0x30: {  	s3 =	sld [smem:$0x3FB2]  }
0x31: {  	[smem:$0x3FBB] =	sst s10  }
0x32: {  	s10 =	sld [smem:$0x3FB9];
	_ =	sdelay $0x3  }
0x33: {  	p0 =	seq.s32 s10, $0x1;
	s10 =	sld [smem:$0x3FBB];
	_ =	sdelay $0x3  }
0x34: {  	[smem:$0x3FBB] =	sst s10  }
0x35: {  	s10 =	sld [smem:$0x3FBA];
	_ =	sdelay $0x3  }
0x36: {  	p1 =	seq.s32 s10, $0x1;
	s10 =	sld [smem:$0x3FBB];
	_ =	sdelay $0x3  }
0x37: {  	[smem:$0x3FBB] =	sst s10  }
0x38: {  	s10 =	sld [smem:$0x3FBC]  }
0x39: {  	_ = 	snop;
	(pc) =	sbr.ind lr, $3  }
0x3a: {  	_ = 	snop  }
0x3b: {  	_ = 	snop  }
0x3c: {  	p2 =	seq.s32 s10, $0x1;
	s10 =	sld [smem:$0x3FBB]  }
0x3d: {  	_ =	shalt  }
0x3e: {  	_ =	shalt  }
0x3f: {  	_ =	shalt  }
0x40: {  	_ =	shalt  }
0x41: {  	_ =	shalt  }
0x42: {  	_ =	shalt  }
0x43: {  	_ =	shalt  }
0x44: {  	_ =	shalt  }
0x45: {  	_ =	shalt  }
0x46: {  	_ =	shalt  }
0x47: {  	_ =	shalt  }
0x48: {  	_ =	shalt  }
0x49: {  	_ =	shalt  }
0x4a: {  	_ =	shalt  }
0x4b: {  	_ =	shalt  }
0x4c: {  	_ =	shalt  }
0x4d: {  	_ =	shalt  }
0x4e: {  	_ =	shalt  }
0x4f: {  	_ =	shalt  }
0x50: {  	_ =	shalt  }
0x51: {  	_ =	shalt  }
0x52: {  	_ =	shalt  }
0x53: {  	_ =	shalt  }
0x54: {  	_ =	shalt  }
0x55: {  	_ =	shalt  }
0x56: {  	_ =	shalt  }
0x57: {  	_ =	shalt  }
0x58: {  	_ =	shalt  }
0x59: {  	_ =	shalt  }
0x5a: {  	_ =	shalt  }
0x5b: {  	_ =	shalt  }
0x5c: {  	_ =	shalt  }
0x5d: {  	_ =	shalt  }
0x5e: {  	_ =	shalt  }
0x5f: {  	_ =	shalt  }
0x60: {  	_ =	shalt  }
0x61: {  	_ =	shalt  }
0x62: {  	_ =	shalt  }
0x63: {  	_ =	shalt  }
0x64: {  	_ =	shalt  }
0x65: {  	_ =	shalt  }
0x66: {  	_ =	shalt  }
0x67: {  	_ =	shalt  }
0x68: {  	_ =	shalt  }
0x69: {  	_ =	shalt  }
0x6a: {  	_ =	shalt  }
0x6b: {  	_ =	shalt  }
0x6c: {  	_ =	shalt  }
0x6d: {  	_ =	shalt  }
0x6e: {  	_ =	shalt  }
0x6f: {  	_ =	shalt  }
0x70: {  	_ =	shalt  }
0x71: {  	_ =	shalt  }
0x72: {  	_ =	shalt  }
0x73: {  	_ =	shalt  }
0x74: {  	_ =	shalt  }
0x75: {  	_ =	shalt  }
0x76: {  	_ =	shalt  }
0x77: {  	_ =	shalt  }
0x78: {  	_ =	shalt  }
0x79: {  	_ =	shalt  }
0x7a: {  	_ =	shalt  }
0x7b: {  	_ =	shalt  }
0x7c: {  	_ =	shalt  }
0x7d: {  	_ =	shalt  }
0x7e: {  	_ =	shalt  }
0x7f: {  	_ =	shalt  }
0x80: {  	_ =	shalt  }
0x81: {  	_ =	shalt  }
0x82: {  	_ =	shalt  }
0x83: {  	_ =	shalt  }
0x84: {  	_ =	shalt  }
0x85: {  	_ =	shalt  }
0x86: {  	_ =	shalt  }
0x87: {  	_ =	shalt  }
.Lfunc_end0:
.L_simem_size_0:
called_computation_lowered:
.L_overlay_start_0:
0x88: {  	s0 =	sld [smem:$0x3FD9]  }
0x89: {  	s1 =	sld [smem:$0x3FFE];
	_ =	sdelay $0x3  }
0x8a: {  	s0 =	sadd.s32 s1, s0  }
0x8b: {  	[smem:$0x3FC7] =	sst s0  }
0x8c: {  	_ = 	snop  }
0x8d: {  	s0 =	sld [smem:$0x3FC9]  }
0x8e: {  	s17 =	sld [smem:$0x3FD0];
	(tm) =	ssettm $0x1  }
0x8f: {  	s2 =	sld [smem:$0x3FFB];
	_ =	sdelay $0x3  }
0x90: {  	_ =	strace s2  }
0x91: {  	s2 =	sld [smem:$0x3FFC];
	_ =	sdelay $0x3  }
0x92: {  	_ =	strace s2  }
0x93: {  	s2 =	sld [smem:$0x3FFD];
	_ =	sdelay $0x3  }
0x94: {  	_ =	strace s2  }
0x95: {  	_ =	strace $0x8FFFFFFF  }
0x96: {  	s18 =	sld [smem:$0x3FDB];
	_ =	sdelay $0x1  }
0x97: {  	s3 =	simm.s32 $_scs_section_size  }
0x98: {  	s4 =	simm.s32 $_size__tile_overlayer_lowered;
	s5 =	simm.s32 $_tile_overlayer_lowered  }
0x99: {  	s21 =	simm.s32 $0x1BFF;
	s20 =	sshll.u32 s5, $0x1;
	s2 =	sadd.s32 s3, s18  }
0x9a: {  	s6 =	simm.s32 $0x0;
	s19 =	sshll.u32 s4, $0x1;
	s4 =	sadd.s32 s20, s2  }
0x9b: {  	[timem:s6], [sflag:s21] =	dma.local [hbm:s4], s19  }
0x9c: {  	_ =	swait.ge [sflag:s21], s19  }
0x9d: {  	s3 =	ssub.s32 $0x0, s19;
	[sflag:s21] =	ssyncset.done $0x0  }
0x9e: {  	[sflag:s21] =	ssyncadd.s32 s3;
	_ =	sdelay $0x1  }
0x9f: {  	s22 =	simm.s32 $0x1B8B  }
0xa0: {  	_ =	swait.ge [sflag:s22], $0x1  }
0xa1: {  	[sflag:s22] =	ssyncset.done $0x0  }
0xa2: {  	s23 =	simm.s32 $0x1B8E;
	[sflag:s22] =	ssyncadd.s32 $0xFFFFFFFF  }
0xa3: {  	s24 =	simm.s32 $execute0_lowered;
	[smem:$0x3FD2] =	sst s23  }
0xa4: {  	s3 =	sshll.u32 s24, $0x1;
	_ =	strace $0x80000046;
	[dreg:$0x1] =	wrdreg $0xFFFFFFFF  }
0xa5: {  	s25 =	simm.s32 $_size_execute0_lowered;
	s2 =	sadd.s32 s2, s3;
	[dreg:$0x0] =	wrdreg $0x0  }
0xa6: {  	s3 =	sshll.u32 s25, $0x1;
	[dreg:$0x2] =	wrdreg s2  }
0xa7: {  	[dreg:$0x3] =	wrdreg s3  }
0xa8: {  	[dreg:$0x4] =	wrdreg $0xC0  }
0xa9: {  	_ =	task [dreg:s6], $0x5FFFF  }
0xaa: {  	[dreg:$0x1] =	wrdreg $0xFFFFFFFF  }
0xab: {  	[dreg:$0x0] =	wrdreg $0x60  }
0xac: {  	[dreg:$0x2] =	wrdreg s0  }
0xad: {  	[dreg:$0x3] =	wrdreg s17  }
0xae: {  	[dreg:$0x4] =	wrdreg $0x9  }
0xaf: {  	_ =	task.clear_ibuf [dreg:s6], $0x5FFFF;
	_ =	strace $0x90000046  }
0xb0: {  	s26 =	simm.s32 $0x9;
	_ =	strace $0x80000048  }
0xb1: {  	_ =	swait.ge [sflag:s26], $0x1  }
0xb2: {  	[sflag:s26] =	ssyncadd.s32 $0xFFFFFFFF  }
0xb3: {  	_ =	strace $0x90000048  }
0xb4: {  	_ =	sfence  }
0xb5: {  	s28 =	sld [smem:$0x0];
	_ =	sdelay $0x1  }
0xb6: {  	s29 =	srdreg.scid  }
0xb7: {  	s30 =	sshll.u32 s29, $0xD;
	s31 =	sshrl.u32 s29, $0x2  }
0xb8: {  	s1 =	sand.u32 $0x1, s29;
	s2 =	sand.u32 $0x4000, s30;
	s0 =	sadd.s32 s31, s28  }
0xb9: {  	s1 =	sor.u32 s2, s1;
	s0 =	sshll.u32 s0, $0x11  }
0xba: {  	s0 =	sor.u32 s0, s1  }
0xbb: {  	s0 =	sadd.s32 $0x8F2B, s0  }
0xbc: {  	[sflag:s0] =	ssyncadd.remote.s32 $0x1  }
0xbd: {  	_ =	sfence.sel $0xFFFF  }
0xbe: {  	[dreg:$0x0] =	wrdreg $0xFFFFFFFF;
	(pc) =	sbr.abs _section_cstart, $3  }
0xbf: {  	[dreg:$0x1] =	wrdreg $0xFFFFFFFF  }
0xc0: {  	_ =	task.clear_ibuf [dreg:s6], $0x2FFFF;
	_ =	strace $0x9FFFFFFF  }
0xc1: {  	(tm) =	ssettm $0x7FFFFFFF  }
tec
execute0_lowered:
.L_overlay_start_1:
0x0: {  	(tag) =	ssettag $0x1  }
0x1: {  	s1 =	stileid.u32  }
0x2: {  	p0 =	sgt.u32 s1, $0x7  }
.Ltmp0:
0x3: {  	_ = 	snop;
	(pc) =	sbr.rel @p0 .LBB2_2-.Ltmp0, $4  }
0x4: {  	s4 =	rddreg [dreg:$0x0]  }
0x5: {  	s3 =	rddreg [dreg:$0x1];
	s2 =	simm.s32 $0x0  }
0x6: {  	[smem:$0x7FF] =	sst s2  }
0x7: {  	s0 =	rddreg [dreg:$0x2];
	_ =	strace $0x80000047  }
0x8: {  	s18 =	smul.u32 $0x1E848, s1  }
0x9: {  	s19 =	simm.s32 $0x400;
	s20 =	simm.s32 $0x7A1400;
	s16 =	simm.s32 $0x2000  }
0xa: {  	s14 =	simm.s32 $0x4000;
	s9 =	simm.s32 $0xA000;
	s5 =	sadd.s32 $0x16E3D, s18  }
0xb: {  	s8 =	sadd.s32 $0x13134, s18;
	s17 =	sadd.s32 $0x3D10, s18;
	s7 =	sand.u32 $0xFFF80, s18  }
0xc: {  	s15 =	sadd.s32 $0x7A19, s18;
	s6 =	sand.u32 $0x1FFF80, s17;
	s7 =	sadd.s32 s4, s7  }
0xd: {  	[tilespmem:s2], [sflag:$0x1] =	stream.strided.gather [hbm4b:s7+s19], $0x2000, s20, s19, $0x38;
	[tilespmem:$0x10400] =	vst v63  }
0xe: {  	s13 =	sadd.s32 $0xB722, s18;
	s11 =	sand.u32 $0x1FFF80, s15;
	s6 =	sadd.s32 s4, s6  }
0xf: {  	[tilespmem:s16], [sflag:$0x1] =	stream.strided.gather [hbm4b:s6+s19], $0x2000, s20, s19, $0x38;
	[tilespmem:$0x10400] =	vst v63  }
0x10: {  	s10 =	sadd.s32 $0xF42B, s18;
	s12 =	sand.u32 $0x1FFF80, s13;
	s7 =	sadd.s32 s4, s11  }
0x11: {  	[tilespmem:s14], [sflag:$0x1] =	stream.strided.gather [hbm4b:s7+s19], $0x2000, s20, s19, $0x38;
	[tilespmem:$0x10400] =	vst v63  }
0x12: {  	s21 =	sand.u32 $0x1FFF80, s10;
	s6 =	sadd.s32 s4, s12;
	s12 =	simm.s32 $0x6000  }
0x13: {  	[tilespmem:s12], [sflag:$0x1] =	stream.strided.gather [hbm4b:s6+s19], $0x2000, s20, s19, $0x38;
	[tilespmem:$0x10400] =	vst v63  }
0x14: {  	s22 =	sand.u32 $0x1FFF80, s8;
	s11 =	simm.s32 $0x8000;
	s7 =	sadd.s32 s4, s21  }
0x15: {  	[tilespmem:s11], [sflag:$0x1] =	stream.strided.gather [hbm4b:s7+s19], $0x2000, s20, s19, $0x38;
	[tilespmem:$0x10400] =	vst v63  }
0x16: {  	s23 =	sadd.s32 $0x1AB46, s18;
	s21 =	sand.u32 $0x1FFF80, s5;
	s6 =	sadd.s32 s4, s22  }
0x17: {  	[tilespmem:s9], [sflag:$0x1] =	stream.strided.gather [hbm4b:s6+s19], $0x2000, s20, s19, $0x38;
	[tilespmem:$0x10400] =	vst v63  }
0x18: {  	s24 =	simm.s32 $0xC000;
	s25 =	sand.u32 $0x1FFF80, s23;
	s21 =	sadd.s32 s4, s21  }
0x19: {  	[tilespmem:s24], [sflag:$0x1] =	stream.strided.gather [hbm4b:s21+s19], $0x2000, s20, s19, $0x38;
	[tilespmem:$0x10400] =	vst v63  }
0x1a: {  	s26 =	simm.s32 $0xE000;
	s28 =	simm.s32 $0x1;
	s21 =	sadd.s32 s4, s25  }
0x1b: {  	[tilespmem:s26], [sflag:$0x1] =	stream.strided.gather [hbm4b:s21+s19], $0x2000, s20, s19, $0x38;
	[tilespmem:$0x10400] =	vst v63  }
0x1c: {  	_ =	swait.ge [sflag:s28], $0x2000  }
0x1d: {  	[sflag:s28] =	ssyncset.done $0x0  }
0x1e: {  	[sflag:s28] =	ssyncadd.s32 $0xFFFFE000  }
0x1f: {  	_ =	swait.ge [sflag:s28], $0x2000  }
0x20: {  	[sflag:s28] =	ssyncset.done $0x0  }
0x21: {  	[sflag:s28] =	ssyncadd.s32 $0xFFFFE000  }
0x22: {  	_ =	swait.ge [sflag:s28], $0x2000  }
0x23: {  	[sflag:s28] =	ssyncset.done $0x0  }
0x24: {  	[sflag:s28] =	ssyncadd.s32 $0xFFFFE000  }
0x25: {  	_ =	swait.ge [sflag:s28], $0x2000  }
0x26: {  	[sflag:s28] =	ssyncset.done $0x0  }
0x27: {  	[sflag:s28] =	ssyncadd.s32 $0xFFFFE000  }
0x28: {  	_ =	swait.ge [sflag:s28], $0x2000  }
0x29: {  	[sflag:s28] =	ssyncset.done $0x0  }
0x2a: {  	s18 =	sor.u32 $0x7, s18;
	[sflag:s28] =	ssyncadd.s32 $0xFFFFE000  }
0x2b: {  	v0 =	vmov s18;
	_ =	swait.ge [sflag:s28], $0x2000  }
0x2c: {  	v1 =	vlaneseq.u32;
	v2 =	vand.u32 $0x7F, v0;
	[sflag:s28] =	ssyncset.done $0x0  }
0x2d: {  	v26 =	vmul.u32 $0x80, v1;
	v4 =	vbroadcast v2, $0x0;
	[sflag:s28] =	ssyncadd.s32 $0xFFFFE000  }
0x2e: {  	_ =	swait.ge [sflag:s28], $0x2000  }
0x2f: {  	v1 =	vor.u32 v26, v4;
	[sflag:s28] =	ssyncset.done $0x0  }
0x30: {  	[sflag:s28] =	ssyncadd.s32 $0xFFFFE000  }
0x31: {  	_ =	swait.ge [sflag:s28], $0x2000  }
0x32: {  	[sflag:s28] =	ssyncset.done $0x0  }
0x33: {  	[sflag:s28] =	ssyncadd.s32 $0xFFFFE000  }
0x34: {  	v27 =	vld.idx.msk [tilespmem:v1+s2+$0x0], $0xffff;
	_ =	sdelay $0x1  }
0x35: {  	v28 =	vor.u32 $0x800, v26  }
0x36: {  	v3 =	vor.u32 v28, v4;
	_ =	sdelay $0x1  }
0x37: {  	v2 =	vadd.f32 v27, v27;
	_ =	sdelay $0x1  }
0x38: {  	[tilespmem:$0x10000] =	vst v2  }
0x39: {  	v3 =	vld.idx.msk [tilespmem:v3+s2+$0x0], $0xffff;
	_ =	sdelay $0x1  }
0x3a: {  	v29 =	vor.u32 $0x1000, v26  }
0x3b: {  	v5 =	vor.u32 v29, v4;
	_ =	sdelay $0x1  }
0x3c: {  	v3 =	vadd.f32 v3, v3;
	_ =	sdelay $0x1  }
0x3d: {  	[tilespmem:$0x10010] =	vst v3  }
0x3e: {  	v5 =	vld.idx.msk [tilespmem:v5+s2+$0x0], $0xffff;
	_ =	sdelay $0x1  }
0x3f: {  	v30 =	vor.u32 $0x1800, v26  }
0x40: {  	v4 =	vor.u32 v30, v4;
	_ =	sdelay $0x1  }
0x41: {  	v5 =	vadd.f32 v5, v5;
	_ =	sdelay $0x1  }
0x42: {  	v6 =	vmov s17;
	[tilespmem:$0x10020] =	vst v5  }
0x43: {  	v31 =	vand.u32 $0x78, v6;
	v4 =	vld.idx.msk [tilespmem:v4+s2+$0x0], $0xffff  }
0x44: {  	v5 =	vbroadcast v31, $0x0;
	_ =	sdelay $0x1  }
0x45: {  	v32 =	vor.u32 v26, v5;
	_ =	sdelay $0x1  }
0x46: {  	v4 =	vadd.f32 v4, v4;
	_ =	sdelay $0x1  }
0x47: {  	[tilespmem:$0x10030] =	vst v4  }
0x48: {  	v4 =	vld.idx.msk [tilespmem:v32+s16+$0x0], $0xffff;
	_ =	sdelay $0x2  }
0x49: {  	v33 =	vor.u32 v28, v5;
	_ =	sdelay $0x1  }
0x4a: {  	v4 =	vadd.f32 v4, v4;
	_ =	sdelay $0x1  }
0x4b: {  	[tilespmem:$0x10080] =	vst v4  }
0x4c: {  	v4 =	vld.idx.msk [tilespmem:v33+s16+$0x0], $0xffff;
	_ =	sdelay $0x2  }
0x4d: {  	v34 =	vor.u32 v29, v5;
	_ =	sdelay $0x1  }
0x4e: {  	v4 =	vadd.f32 v4, v4;
	_ =	sdelay $0x1  }
0x4f: {  	[tilespmem:$0x10090] =	vst v4  }
0x50: {  	v4 =	vld.idx.msk [tilespmem:v34+s16+$0x0], $0xffff;
	_ =	sdelay $0x2  }
0x51: {  	v5 =	vor.u32 v30, v5;
	_ =	sdelay $0x1  }
0x52: {  	v4 =	vadd.f32 v4, v4;
	_ =	sdelay $0x1  }
0x53: {  	v35 =	vmov s15;
	[tilespmem:$0x100A0] =	vst v4  }
0x54: {  	v36 =	vand.u32 $0x79, v35;
	v4 =	vld.idx.msk [tilespmem:v5+s16+$0x0], $0xffff  }
0x55: {  	v5 =	vbroadcast v36, $0x0;
	_ =	sdelay $0x1  }
0x56: {  	v37 =	vor.u32 v26, v5;
	_ =	sdelay $0x1  }
0x57: {  	v4 =	vadd.f32 v4, v4;
	_ =	sdelay $0x1  }
0x58: {  	[tilespmem:$0x100B0] =	vst v4  }
0x59: {  	v4 =	vld.idx.msk [tilespmem:v37+s14+$0x0], $0xffff;
	_ =	sdelay $0x2  }
0x5a: {  	v38 =	vor.u32 v28, v5;
	_ =	sdelay $0x1  }
0x5b: {  	v4 =	vadd.f32 v4, v4;
	_ =	sdelay $0x1  }
0x5c: {  	[tilespmem:$0x10100] =	vst v4  }
0x5d: {  	v4 =	vld.idx.msk [tilespmem:v38+s14+$0x0], $0xffff;
	_ =	sdelay $0x2  }
0x5e: {  	v39 =	vor.u32 v29, v5;
	_ =	sdelay $0x1  }
0x5f: {  	v4 =	vadd.f32 v4, v4;
	_ =	sdelay $0x1  }
0x60: {  	[tilespmem:$0x10110] =	vst v4  }
0x61: {  	v4 =	vld.idx.msk [tilespmem:v39+s14+$0x0], $0xffff;
	_ =	sdelay $0x2  }
0x62: {  	v5 =	vor.u32 v30, v5;
	_ =	sdelay $0x1  }
0x63: {  	v4 =	vadd.f32 v4, v4;
	_ =	sdelay $0x1  }
0x64: {  	v40 =	vmov s13;
	[tilespmem:$0x10120] =	vst v4  }
0x65: {  	v41 =	vand.u32 $0x7A, v40;
	v5 =	vld.idx.msk [tilespmem:v5+s14+$0x0], $0xffff  }
0x66: {  	v4 =	vbroadcast v41, $0x0;
	_ =	sdelay $0x1  }
0x67: {  	v42 =	vor.u32 v26, v4;
	_ =	sdelay $0x1  }
0x68: {  	v5 =	vadd.f32 v5, v5;
	_ =	sdelay $0x1  }
0x69: {  	[tilespmem:$0x10130] =	vst v5  }
0x6a: {  	v5 =	vld.idx.msk [tilespmem:v42+s12+$0x0], $0xffff;
	_ =	sdelay $0x2  }
0x6b: {  	v43 =	vor.u32 v28, v4;
	_ =	sdelay $0x1  }
0x6c: {  	v5 =	vadd.f32 v5, v5;
	_ =	sdelay $0x1  }
0x6d: {  	[tilespmem:$0x10180] =	vst v5  }
0x6e: {  	v5 =	vld.idx.msk [tilespmem:v43+s12+$0x0], $0xffff;
	_ =	sdelay $0x2  }
0x6f: {  	v44 =	vor.u32 v29, v4;
	_ =	sdelay $0x1  }
0x70: {  	v5 =	vadd.f32 v5, v5;
	_ =	sdelay $0x1  }
0x71: {  	[tilespmem:$0x10190] =	vst v5  }
0x72: {  	v5 =	vld.idx.msk [tilespmem:v44+s12+$0x0], $0xffff;
	_ =	sdelay $0x2  }
0x73: {  	v4 =	vor.u32 v30, v4;
	_ =	sdelay $0x1  }
0x74: {  	v5 =	vadd.f32 v5, v5;
	_ =	sdelay $0x1  }
0x75: {  	v45 =	vmov s10;
	[tilespmem:$0x101A0] =	vst v5  }
0x76: {  	v46 =	vand.u32 $0x7B, v45;
	v4 =	vld.idx.msk [tilespmem:v4+s12+$0x0], $0xffff  }
0x77: {  	v5 =	vbroadcast v46, $0x0;
	_ =	sdelay $0x1  }
0x78: {  	v47 =	vor.u32 v26, v5;
	_ =	sdelay $0x1  }
0x79: {  	v4 =	vadd.f32 v4, v4;
	_ =	sdelay $0x1  }
0x7a: {  	[tilespmem:$0x101B0] =	vst v4  }
0x7b: {  	v4 =	vld.idx.msk [tilespmem:v47+s11+$0x0], $0xffff;
	_ =	sdelay $0x2  }
0x7c: {  	v48 =	vor.u32 v28, v5;
	_ =	sdelay $0x1  }
0x7d: {  	v4 =	vadd.f32 v4, v4;
	_ =	sdelay $0x1  }
0x7e: {  	[tilespmem:$0x10200] =	vst v4  }
0x7f: {  	v4 =	vld.idx.msk [tilespmem:v48+s11+$0x0], $0xffff;
	_ =	sdelay $0x2  }
0x80: {  	v49 =	vor.u32 v29, v5;
	_ =	sdelay $0x1  }
0x81: {  	v4 =	vadd.f32 v4, v4;
	_ =	sdelay $0x1  }
0x82: {  	[tilespmem:$0x10210] =	vst v4  }
0x83: {  	v4 =	vld.idx.msk [tilespmem:v49+s11+$0x0], $0xffff;
	_ =	sdelay $0x2  }
0x84: {  	v5 =	vor.u32 v30, v5;
	_ =	sdelay $0x1  }
0x85: {  	v4 =	vadd.f32 v4, v4;
	_ =	sdelay $0x1  }
0x86: {  	v50 =	vmov s8;
	[tilespmem:$0x10220] =	vst v4  }
0x87: {  	v51 =	vand.u32 $0x7C, v50;
	v5 =	vld.idx.msk [tilespmem:v5+s11+$0x0], $0xffff  }
0x88: {  	v4 =	vbroadcast v51, $0x0;
	_ =	sdelay $0x1  }
0x89: {  	v52 =	vor.u32 v26, v4;
	_ =	sdelay $0x1  }
0x8a: {  	v5 =	vadd.f32 v5, v5;
	_ =	sdelay $0x1  }
0x8b: {  	[tilespmem:$0x10230] =	vst v5  }
0x8c: {  	v5 =	vld.idx.msk [tilespmem:v52+s9+$0x0], $0xffff;
	_ =	sdelay $0x2  }
0x8d: {  	v53 =	vor.u32 v28, v4;
	_ =	sdelay $0x1  }
0x8e: {  	v5 =	vadd.f32 v5, v5;
	_ =	sdelay $0x1  }
0x8f: {  	[tilespmem:$0x10280] =	vst v5  }
0x90: {  	v5 =	vld.idx.msk [tilespmem:v53+s9+$0x0], $0xffff;
	_ =	sdelay $0x2  }
0x91: {  	v54 =	vor.u32 v29, v4;
	_ =	sdelay $0x1  }
0x92: {  	v5 =	vadd.f32 v5, v5;
	_ =	sdelay $0x1  }
0x93: {  	[tilespmem:$0x10290] =	vst v5  }
0x94: {  	v5 =	vld.idx.msk [tilespmem:v54+s9+$0x0], $0xffff;
	_ =	sdelay $0x2  }
0x95: {  	v4 =	vor.u32 v30, v4;
	_ =	sdelay $0x1  }
0x96: {  	v5 =	vadd.f32 v5, v5;
	_ =	sdelay $0x1  }
0x97: {  	v55 =	vmov s5;
	[tilespmem:$0x102A0] =	vst v5  }
0x98: {  	v56 =	vand.u32 $0x7D, v55;
	v4 =	vld.idx.msk [tilespmem:v4+s9+$0x0], $0xffff  }
0x99: {  	v5 =	vbroadcast v56, $0x0;
	_ =	sdelay $0x1  }
0x9a: {  	v57 =	vor.u32 v26, v5;
	_ =	sdelay $0x1  }
0x9b: {  	v4 =	vadd.f32 v4, v4;
	_ =	sdelay $0x1  }
0x9c: {  	[tilespmem:$0x102B0] =	vst v4  }
0x9d: {  	v4 =	vld.idx.msk [tilespmem:v57+s24+$0x0], $0xffff;
	_ =	sdelay $0x2  }
0x9e: {  	v58 =	vor.u32 v28, v5;
	_ =	sdelay $0x1  }
0x9f: {  	v4 =	vadd.f32 v4, v4;
	_ =	sdelay $0x1  }
0xa0: {  	[tilespmem:$0x10300] =	vst v4  }
0xa1: {  	v4 =	vld.idx.msk [tilespmem:v58+s24+$0x0], $0xffff;
	_ =	sdelay $0x2  }
0xa2: {  	v59 =	vor.u32 v29, v5;
	_ =	sdelay $0x1  }
0xa3: {  	v4 =	vadd.f32 v4, v4;
	_ =	sdelay $0x1  }
0xa4: {  	[tilespmem:$0x10310] =	vst v4  }
0xa5: {  	v4 =	vld.idx.msk [tilespmem:v59+s24+$0x0], $0xffff;
	_ =	sdelay $0x2  }
0xa6: {  	v5 =	vor.u32 v30, v5;
	_ =	sdelay $0x1  }
0xa7: {  	v4 =	vadd.f32 v4, v4;
	_ =	sdelay $0x1  }
0xa8: {  	v60 =	vmov s23;
	[tilespmem:$0x10320] =	vst v4  }
0xa9: {  	v61 =	vand.u32 $0x7E, v60;
	v5 =	vld.idx.msk [tilespmem:v5+s24+$0x0], $0xffff  }
0xaa: {  	v4 =	vbroadcast v61, $0x0;
	_ =	sdelay $0x1  }
0xab: {  	v0 =	vor.u32 v26, v4;
	_ =	sdelay $0x1  }
0xac: {  	v5 =	vadd.f32 v5, v5;
	_ =	sdelay $0x1  }
0xad: {  	[tilespmem:$0x10330] =	vst v5  }
0xae: {  	v0 =	vld.idx.msk [tilespmem:v0+s26+$0x0], $0xffff;
	_ =	sdelay $0x2  }
0xaf: {  	v1 =	vor.u32 v28, v4;
	_ =	sdelay $0x1  }
0xb0: {  	v0 =	vadd.f32 v0, v0;
	_ =	sdelay $0x1  }
0xb1: {  	[tilespmem:$0x10380] =	vst v0  }
0xb2: {  	v0 =	vld.idx.msk [tilespmem:v1+s26+$0x0], $0xffff;
	_ =	sdelay $0x2  }
0xb3: {  	v62 =	vor.u32 v29, v4;
	_ =	sdelay $0x1  }
0xb4: {  	v0 =	vadd.f32 v0, v0;
	_ =	sdelay $0x1  }
0xb5: {  	[tilespmem:$0x10390] =	vst v0  }
0xb6: {  	v0 =	vld.idx.msk [tilespmem:v62+s26+$0x0], $0xffff;
	_ =	sdelay $0x2  }
0xb7: {  	v63 =	vor.u32 v30, v4;
	_ =	sdelay $0x1  }
0xb8: {  	v0 =	vadd.f32 v0, v0;
	_ =	sdelay $0x1  }
0xb9: {  	[tilespmem:$0x103A0] =	vst v0  }
0xba: {  	v0 =	vld.idx.msk [tilespmem:v63+s26+$0x0], $0xffff;
	_ =	sdelay $0x4  }
0xbb: {  	v0 =	vadd.f32 v0, v0  }
0xbc: {  	s29 =	sshll.u32 s1, $0x7  }
0xbd: {  	s30 =	simm.s32 $0x10000;
	s31 =	simm.s32 $0x2;
	s3 =	sadd.s32 s3, s29;
	[tilespmem:$0x103B0] =	vst v0  }
0xbe: {  	[hbm4b:s3+s2] =	stream.linear.scatter [tilespmem:s30], [sflag:$0x2], $0x400, $0x38;
	[tilespmem:$0x10400] =	vst v63  }
0xbf: {  	_ =	swait.ge [sflag:s31], $0x400  }
0xc0: {  	[sflag:s31] =	ssyncset.done $0x0  }
0xc1: {  	[sflag:s31] =	ssyncadd.s32 $0xFFFFFC00  }
.LBB2_2:
0xc2: {  	_ =	sfence.sel $0x180000  }
0xc3: {  	[bflag:$0x0] =	sbarrier.arrive $0xFFFF  }
0xc4: {  	p0 =	sne.s32 s1, $0x0;
	_ =	strace $0x90000047  }
0xc5: {  	s0 =	sadd.s32 @!p0 $0x100000, s0;
	[bflag:$0x2] =	sbarrier.arrive $0xFFFF  }
0xc6: {  	[sflag:s0] =	ssyncadd.tile.s32 @!p0 $0x1;
	_ =	shalt  }
.Lfunc_end2:
_tile_overlayer_lowered:
.L_overlay_start_2:
0xc7: {  	(tag) =	ssettag $0x2  }
0xc8: {  	s0 =	rddreg [dreg:$0x0];
	s2 =	stileid.u32  }
0xc9: {  	s1 =	rddreg [dreg:$0x1];
	p0 =	sne.s32 s2, $0x0  }
0xca: {  	s3 =	rddreg [dreg:$0x2];
	[bflag:$0x3] =	sbarrier.arrive $0xFFFF;
	s2 =	simm.s32 @!p0 $0x1C02  }
0xcb: {  	[timem:s3], [sflag:s2] =	dma.local @!p0 [hbm:s0], s1  }
0xcc: {  	s0 =	simm.s32 @!p0 $0x2  }
0xcd: {  	_ =	swait.ge @!p0 [sflag:s0], s1  }
0xce: {  	s1 =	ssub.s32 @!p0 $0x0, s1;
	[sflag:s0] =	ssyncset.done @!p0 $0x0  }
0xcf: {  	[sflag:s0] =	ssyncadd.s32 @!p0 s1  }
0xd0: {  	[bflag:$0x3] =	sbarrier.arrive $0xFFFF  }
0xd1: {  	_ =	shalt  }

</sc_bundles>
